<compile_context>
chip_gen: v7x
topology: tpu7x:2x2x1
jax: 0.10.2.dev20260603
libtpu: 0.0.44.dev20260713+nightly
codegen_flags: <defaults>
</compile_context>

<pallas_src>
import jax
import jax.numpy as jnp
from jax import lax
from jax.experimental import pallas as pl
from jax.experimental.pallas import tpu as pltpu
from jax.experimental.pallas import tpu_sc as plsc

_N = 10000
_E = 320000
_D = 128
_MASK_NUM = 1500
_REPL_NUM = 150
_NC = 2
_NS = 16
_NW = _NC * _NS
_EPW = 2 * _E // _NW
_RPW = 320
_LAST_BASE = _N - _RPW
_NPAD = _N + 16
_IMIN = jnp.iinfo(jnp.int32).min

def _op_constants():
    kg, kr = jax.random.split(jax.random.key(42))
    gum_pad = jnp.pad(
        jax.random.gumbel(kg, (_N,), dtype=jnp.float32),
        (0, _NPAD - _N)).reshape(1, _NPAD)
    rand_flat = jax.random.normal(
        kr, (_REPL_NUM, _D), dtype=jnp.float32).reshape(-1)
    return gum_pad, rand_flat


def _sget(ref, i):
    return ref[pl.ds(i, 16)][0]


def _bincount_body(edges_hbm, hist_hbm, ev, hv):
    c = lax.axis_index("c")
    s = lax.axis_index("s")
    wid = s * _NC + c
    base = wid * _EPW
    pltpu.sync_copy(edges_hbm.at[pl.ds(base, _EPW)], ev)
    z = jnp.zeros((16,), jnp.int32)

    @plsc.parallel_loop(0, _NPAD // 16, unroll=8)
    def _(i):
        hv[pl.ds(i * 16, 16)] = z

    ones = jnp.ones((16,), jnp.int32)

    @plsc.parallel_loop(0, _EPW // 16, unroll=8)
    def _(i):
        idx = ev[pl.ds(i * 16, 16)]
        plsc.addupdate_scatter(hv, [idx], ones)

    pltpu.sync_copy(hv, hist_hbm.at[wid, 0])


def _sc_bincount(edges):
    mesh = plsc.VectorSubcoreMesh(core_axis_name="c", subcore_axis_name="s")
    return pl.kernel(
        _bincount_body,
        out_type=jax.ShapeDtypeStruct((_NW, 1, _NPAD), jnp.int32),
        mesh=mesh,
        scratch_types=[
            pltpu.VMEM((_EPW,), jnp.int32),
            pltpu.VMEM((_NPAD,), jnp.int32),
        ],
        compiler_params=pltpu.CompilerParams(needs_layout_passes=False),
    )(edges)


def _tc_score_body(hist_ref, gum_ref, mask_ref, skey_ref, t_ref):
    col = lax.broadcasted_iota(jnp.int32, (1, _NPAD), 1)
    valid = col < _N
    deg = jnp.sum(hist_ref[...], axis=0, keepdims=True).astype(jnp.float32)
    m = jnp.max(deg)
    e = jnp.where(valid, jnp.exp(deg - m), jnp.float32(0.0))
    ssum = jnp.sum(e)
    prob = e / ssum
    sc = jnp.log(prob + jnp.float32(1e-20)) + gum_ref[...]
    b = lax.bitcast_convert_type(sc, jnp.int32)
    u = jnp.where(
        b < 0,
        lax.bitcast_convert_type(~b, jnp.uint32),
        lax.bitcast_convert_type(b, jnp.uint32) | jnp.uint32(0x80000000),
    )
    u = jnp.where(valid, u, jnp.uint32(0))

    def bit_body(t, ps):
        p1, p2 = ps
        sh = jnp.uint32(31) - t.astype(jnp.uint32)
        one = jnp.uint32(1) << sh
        c1 = p1 | one
        c2 = p2 | one
        n1 = jnp.sum((u >= c1).astype(jnp.int32))
        n2 = jnp.sum((u >= c2).astype(jnp.int32))
        return (jnp.where(n1 >= _MASK_NUM, c1, p1),
                jnp.where(n2 >= _REPL_NUM, c2, p2))

    tz, tr = lax.fori_loop(0, 32, bit_body, (jnp.uint32(0), jnp.uint32(0)))
    flip = jnp.uint32(0x80000000)
    mask_ref[...] = (u >= tz)[:, :_N]
    skey_ref[...] = lax.bitcast_convert_type(u ^ flip, jnp.int32)
    t_ref[...] = jnp.concatenate([
        jnp.full((1, 16), lax.bitcast_convert_type(tz ^ flip, jnp.int32),
                 jnp.int32),
        jnp.full((1, 16), lax.bitcast_convert_type(tr ^ flip, jnp.int32),
                 jnp.int32)], axis=1)


def _tc_scores(hist, gum2):
    return pl.pallas_call(
        _tc_score_body,
        out_shape=[
            jax.ShapeDtypeStruct((1, _N), jnp.bool_),
            jax.ShapeDtypeStruct((1, _NPAD), jnp.int32),
            jax.ShapeDtypeStruct((1, 32), jnp.int32),
        ],
    )(hist, gum2)


def _sc_apply_body(x_hbm, skey_hbm, t_hbm, rand_hbm, out_hbm,
                   buf, ub, tv, ckey, cidx, lidx, olist, semx):
    c = lax.axis_index("c")
    s = lax.axis_index("s")
    wid = s * _NC + c
    base = jnp.minimum(wid * _RPW, _LAST_BASE)
    cpx = pltpu.async_copy(x_hbm.at[pl.ds(base, _RPW)], buf, semx)
    pltpu.sync_copy(skey_hbm, ub)
    pltpu.sync_copy(t_hbm, tv)
    tz = tv[pl.ds(0, 16)]
    tr = tv[pl.ds(16, 16)]
    lane = lax.iota(jnp.int32, 16)
    imin = jnp.full((16,), _IMIN, jnp.int32)
    for q in range(11):
        ckey[pl.ds(q * 16, 16)] = imin

    def zscan(i, cnt):
        v = ub[pl.ds(base + i * 16, 16)]
        msk = v >= tz
        pc = plsc.all_reduce_population_count(msk)[0]

        @pl.when(pc > 0)
        def _():
            lv = i * 16 + lane
            plsc.store_compressed(lidx.at[pl.ds(cnt, 16)], lv, mask=msk)

        return cnt + pc

    zcnt = lax.fori_loop(0, _RPW // 16, zscan, jnp.int32(0))

    def cscan(i, cnt):
        v = ub[pl.ds(i * 16, 16)]
        msk = v >= tr
        pc = plsc.all_reduce_population_count(msk)[0]

        @pl.when(pc > 0)
        def _():
            gv = i * 16 + lane
            plsc.store_compressed(ckey.at[pl.ds(cnt, 16)], v, mask=msk)
            plsc.store_compressed(cidx.at[pl.ds(cnt, 16)], gv, mask=msk)

        return cnt + pc

    ccnt = lax.fori_loop(0, _NPAD // 16, cscan, jnp.int32(0))

    def oscan(q, cnt):
        jv = q * 16 + lane
        ci = cidx[pl.ds(q * 16, 16)]
        own = (jv < ccnt) & (ci >= base) & (ci < base + _RPW)
        plsc.store_compressed(olist.at[pl.ds(cnt, 16)], jv, mask=own)
        return cnt + plsc.all_reduce_population_count(own)[0]

    ocnt = lax.fori_loop(0, 11, oscan, jnp.int32(0))

    cpx.wait()
    zrow = jnp.zeros((16,), jnp.float32)

    def zero_body(j, _):
        r = _sget(lidx, j)
        for cc in range(8):
            buf[r, pl.ds(cc * 16, 16)] = zrow
        return 0

    lax.fori_loop(0, zcnt, zero_body, 0)

    def repl_body(jj, _):
        j = _sget(olist, jj)
        kj = _sget(ckey, j)
        gi = _sget(cidx, j)
        kjv = jnp.full((16,), kj, jnp.int32)
        giv = jnp.full((16,), gi, jnp.int32)

        def rk(q, r):
            ck = ckey[pl.ds(q * 16, 16)]
            ci = cidx[pl.ds(q * 16, 16)]
            cmp = (ck > kjv) | ((ck == kjv) & (ci < giv))
            return r + plsc.all_reduce_population_count(cmp)[0]

        rank = lax.fori_loop(0, 11, rk, jnp.int32(0))
        rank = jnp.minimum(rank, _REPL_NUM - 1)
        pltpu.sync_copy(rand_hbm.at[pl.ds(rank * _D, _D)],
                        buf.at[gi - base])
        return 0

    lax.fori_loop(0, ocnt, repl_body, 0)
    pltpu.sync_copy(buf, out_hbm.at[pl.ds(base, _RPW)])


def _sc_apply(x, skey_pad, tvals, rand):
    mesh = plsc.VectorSubcoreMesh(core_axis_name="c", subcore_axis_name="s")
    return pl.kernel(
        _sc_apply_body,
        out_type=jax.ShapeDtypeStruct((_N, _D), jnp.float32),
        mesh=mesh,
        scratch_types=[
            pltpu.VMEM((_RPW, _D), jnp.float32),
            pltpu.VMEM((_NPAD,), jnp.int32),
            pltpu.VMEM((32,), jnp.int32),
            pltpu.VMEM((176,), jnp.int32),
            pltpu.VMEM((176,), jnp.int32),
            pltpu.VMEM((352,), jnp.int32),
            pltpu.VMEM((192,), jnp.int32),
            pltpu.SemaphoreType.DMA,
        ],
        compiler_params=pltpu.CompilerParams(needs_layout_passes=False),
    )(x, skey_pad, tvals, rand)


def kernel(x, edge_index, aug_type):
    del aug_type
    gum_pad, rand_flat = _op_constants()
    edges = edge_index.reshape(2 * _E)
    hist = _sc_bincount(edges).reshape(_NW, _NPAD)
    mask_i, skey, tvals = _tc_scores(hist, gum_pad)
    out = _sc_apply(x, skey.reshape(_NPAD), tvals.reshape(32), rand_flat)
    return out, mask_i.reshape(_N)

# --- scband reference (transcript-rebuilt; emitter-appended) ---
"""Pipeline reference for scband-intelligent-masking-1090921693614 (READ-ONLY COPY).

The authoritative reference and input builder live on the scoring server;
editing this copy changes nothing except your own understanding.
"""

import jax, jax.numpy as jnp
import numpy as np

N = 10000
E = 320000
D = 128
MASK_RATE = 0.15
REPLACE_RATE = 0.1


def setup_inputs(seed: int = 0) -> dict:
    key = jax.random.key(seed)
    k1, k2 = jax.random.split(key)
    x = jax.random.normal(k1, (N, D), dtype=jnp.float32)
    edge_index = jax.random.randint(k2, (2, E), 0, N, dtype=jnp.int32)
    return {"x": x, "edge_index": edge_index, "aug_type": 0}


def reference(x, edge_index, aug_type=0):
    # aug_type == 0 -> apply_masking with 'degree' importance strategy
    num_nodes = x.shape[0]
    # degree(edge_index[0]) + degree(edge_index[1])
    deg = (jnp.bincount(edge_index[0], length=num_nodes)
           + jnp.bincount(edge_index[1], length=num_nodes)).astype(jnp.float32)
    # importance -> softmax prob
    prob = jax.nn.softmax(deg, axis=0)
    mask_num = max(1, int(num_nodes * MASK_RATE))
    # multinomial without replacement == Gumbel top-k on log-probs
    key = jax.random.key(42)
    kg, kr = jax.random.split(key)
    gumbel = jax.random.gumbel(kg, (num_nodes,), dtype=jnp.float32)
    scores = jnp.log(prob + 1e-20) + gumbel
    _, masked_indices = jax.lax.top_k(scores, mask_num)
    mask = jnp.zeros(num_nodes, dtype=bool).at[masked_indices].set(True)
    replace_num = int(mask_num * REPLACE_RATE)
    replace_idx = masked_indices[:replace_num]
    zero_idx = masked_indices[replace_num:]
    rand_features = jax.random.normal(kr, (replace_num, x.shape[1]), dtype=x.dtype)
    masked_x = x.at[replace_idx].set(rand_features)
    masked_x = masked_x.at[zero_idx].set(0.0)
    return masked_x, mask

if __name__ == "__main__":
    import jax
    _d = setup_inputs()
    print(jax.jit(kernel)(*tuple(_d.values())))

</pallas_src>

<mosaic_0001>
#map = affine_map<(d0, d1) -> (0, 0)>
#map1 = affine_map<(d0, d1) -> (0)>
module attributes {stable_mosaic.version = 14 : i64} {
  func.func @_sc_apply_body(%arg0: i32, %arg1: i32, %arg2: memref<10000x128xf32, #tpu.memory_space<hbm>>, %arg3: memref<10016xi32, #tpu.memory_space<hbm>>, %arg4: memref<32xi32, #tpu.memory_space<hbm>>, %arg5: memref<19200xf32, #tpu.memory_space<hbm>>, %arg6: memref<10000x128xf32, #tpu.memory_space<hbm>>, %arg7: memref<320x128xf32, #tpu.memory_space<vmem>>, %arg8: memref<10016xi32, #tpu.memory_space<vmem>>, %arg9: memref<32xi32, #tpu.memory_space<vmem>>, %arg10: memref<176xi32, #tpu.memory_space<vmem>>, %arg11: memref<176xi32, #tpu.memory_space<vmem>>, %arg12: memref<352xi32, #tpu.memory_space<vmem>>, %arg13: memref<192xi32, #tpu.memory_space<vmem>>, %arg14: memref<!tpu.dma_semaphore, #tpu.memory_space<semaphore_mem>>) attributes {dimension_semantics = [#tpu.dimension_semantics<core_parallel>, #tpu.dimension_semantics<subcore_parallel>], iteration_bounds = array<i64: 2, 16>, scalar_prefetch = 0 : i64, scratch_operands = 8 : i64, tpu.core_type = #tpu.core_type<sc_vector_subcore>, window_params = [{transform_indices = #map}, {transform_indices = #map1}, {transform_indices = #map1}, {transform_indices = #map1}, {transform_indices = #map}]} {
    %mul3A = arith.constant 2 : i32
    %mul3A_0 = arith.muli %arg1, %mul3A : i32
    %add3A = arith.addi %mul3A_0, %arg0 : i32
    %mul3A_1 = arith.constant 320 : i32
    %mul3A_2 = arith.muli %add3A, %mul3A_1 : i32
    %min3A = arith.constant 9680 : i32
    %min3A_3 = arith.minsi %mul3A_2, %min3A : i32
    %dma_start3A = arith.constant 0 : i32
    %dma_start3A_4 = tpu.memref_slice %arg2[%min3A_3, %dma_start3A] : memref<10000x128xf32, #tpu.memory_space<hbm>> -> memref<320x128xf32, #tpu.memory_space<hbm>>
    %dma_start3A_5 = arith.constant 0 : i32
    %dma_start3A_6 = tpu.memref_slice %arg2[%min3A_3, %dma_start3A_5] : memref<10000x128xf32, #tpu.memory_space<hbm>> -> memref<320x128xf32, #tpu.memory_space<hbm>>
    tpu.enqueue_dma source(%dma_start3A_6 : memref<320x128xf32, #tpu.memory_space<hbm>>) target(%arg7 : memref<320x128xf32, #tpu.memory_space<vmem>>) target_semaphore(%arg14 : memref<!tpu.dma_semaphore, #tpu.memory_space<semaphore_mem>>)
    "tpu.region"() ({
      %run_scoped3A = tpu.sem_alloc : memref<!tpu.dma_semaphore, #tpu.memory_space<semaphore_mem>>
      tpu.enqueue_dma source(%arg3 : memref<10016xi32, #tpu.memory_space<hbm>>) target(%arg8 : memref<10016xi32, #tpu.memory_space<vmem>>) target_semaphore(%run_scoped3A : memref<!tpu.dma_semaphore, #tpu.memory_space<semaphore_mem>>)
      tpu.wait_dma2 semaphore(%run_scoped3A : memref<!tpu.dma_semaphore, #tpu.memory_space<semaphore_mem>>) src(%arg3 : memref<10016xi32, #tpu.memory_space<hbm>>) dst(%arg8 : memref<10016xi32, #tpu.memory_space<vmem>>)
      tpu.yield
    }) : () -> ()
    "tpu.region"() ({
      %run_scoped3A = tpu.sem_alloc : memref<!tpu.dma_semaphore, #tpu.memory_space<semaphore_mem>>
      tpu.enqueue_dma source(%arg4 : memref<32xi32, #tpu.memory_space<hbm>>) target(%arg9 : memref<32xi32, #tpu.memory_space<vmem>>) target_semaphore(%run_scoped3A : memref<!tpu.dma_semaphore, #tpu.memory_space<semaphore_mem>>)
      tpu.wait_dma2 semaphore(%run_scoped3A : memref<!tpu.dma_semaphore, #tpu.memory_space<semaphore_mem>>) src(%arg4 : memref<32xi32, #tpu.memory_space<hbm>>) dst(%arg9 : memref<32xi32, #tpu.memory_space<vmem>>)
      tpu.yield
    }) : () -> ()
    %get3A = arith.constant 0 : index
    %get3A_7 = tpu.vector_load %arg9[%get3A] {strides = array<i32>} : memref<32xi32, #tpu.memory_space<vmem>>, vector<16xi32>,
    %get3A_8 = arith.constant 16 : index
    %get3A_9 = tpu.vector_load %arg9[%get3A_8] {strides = array<i32>} : memref<32xi32, #tpu.memory_space<vmem>>, vector<16xi32>,
    %iota3A = tpu.iota {dimensions = array<i32: 0>} : vector<16xi32>
    %broadcast_in_dim3A = arith.constant -2147483648 : i32
    %broadcast_in_dim3A_10 = vector.broadcast %broadcast_in_dim3A : i32 to vector<16xi32>
    %swap3A = arith.constant 0 : index
    %swap3A_11 = tpu.vector_load %arg10[%swap3A] {strides = array<i32>} : memref<176xi32, #tpu.memory_space<vmem>>, vector<16xi32>,
    tpu.vector_store %arg10[%swap3A], %broadcast_in_dim3A_10 {strides = array<i32>} : memref<176xi32, #tpu.memory_space<vmem>>, vector<16xi32>,
    %swap3A_12 = arith.constant 16 : index
    %swap3A_13 = tpu.vector_load %arg10[%swap3A_12] {strides = array<i32>} : memref<176xi32, #tpu.memory_space<vmem>>, vector<16xi32>,
    tpu.vector_store %arg10[%swap3A_12], %broadcast_in_dim3A_10 {strides = array<i32>} : memref<176xi32, #tpu.memory_space<vmem>>, vector<16xi32>,
    %swap3A_14 = arith.constant 32 : index
    %swap3A_15 = tpu.vector_load %arg10[%swap3A_14] {strides = array<i32>} : memref<176xi32, #tpu.memory_space<vmem>>, vector<16xi32>,
    tpu.vector_store %arg10[%swap3A_14], %broadcast_in_dim3A_10 {strides = array<i32>} : memref<176xi32, #tpu.memory_space<vmem>>, vector<16xi32>,
    %swap3A_16 = arith.constant 48 : index
    %swap3A_17 = tpu.vector_load %arg10[%swap3A_16] {strides = array<i32>} : memref<176xi32, #tpu.memory_space<vmem>>, vector<16xi32>,
    tpu.vector_store %arg10[%swap3A_16], %broadcast_in_dim3A_10 {strides = array<i32>} : memref<176xi32, #tpu.memory_space<vmem>>, vector<16xi32>,
    %swap3A_18 = arith.constant 64 : index
    %swap3A_19 = tpu.vector_load %arg10[%swap3A_18] {strides = array<i32>} : memref<176xi32, #tpu.memory_space<vmem>>, vector<16xi32>,
    tpu.vector_store %arg10[%swap3A_18], %broadcast_in_dim3A_10 {strides = array<i32>} : memref<176xi32, #tpu.memory_space<vmem>>, vector<16xi32>,
    %swap3A_20 = arith.constant 80 : index
    %swap3A_21 = tpu.vector_load %arg10[%swap3A_20] {strides = array<i32>} : memref<176xi32, #tpu.memory_space<vmem>>, vector<16xi32>,
    tpu.vector_store %arg10[%swap3A_20], %broadcast_in_dim3A_10 {strides = array<i32>} : memref<176xi32, #tpu.memory_space<vmem>>, vector<16xi32>,
    %swap3A_22 = arith.constant 96 : index
    %swap3A_23 = tpu.vector_load %arg10[%swap3A_22] {strides = array<i32>} : memref<176xi32, #tpu.memory_space<vmem>>, vector<16xi32>,
    tpu.vector_store %arg10[%swap3A_22], %broadcast_in_dim3A_10 {strides = array<i32>} : memref<176xi32, #tpu.memory_space<vmem>>, vector<16xi32>,
    %swap3A_24 = arith.constant 112 : index
    %swap3A_25 = tpu.vector_load %arg10[%swap3A_24] {strides = array<i32>} : memref<176xi32, #tpu.memory_space<vmem>>, vector<16xi32>,
    tpu.vector_store %arg10[%swap3A_24], %broadcast_in_dim3A_10 {strides = array<i32>} : memref<176xi32, #tpu.memory_space<vmem>>, vector<16xi32>,
    %swap3A_26 = arith.constant 128 : index
    %swap3A_27 = tpu.vector_load %arg10[%swap3A_26] {strides = array<i32>} : memref<176xi32, #tpu.memory_space<vmem>>, vector<16xi32>,
    tpu.vector_store %arg10[%swap3A_26], %broadcast_in_dim3A_10 {strides = array<i32>} : memref<176xi32, #tpu.memory_space<vmem>>, vector<16xi32>,
    %swap3A_28 = arith.constant 144 : index
    %swap3A_29 = tpu.vector_load %arg10[%swap3A_28] {strides = array<i32>} : memref<176xi32, #tpu.memory_space<vmem>>, vector<16xi32>,
    tpu.vector_store %arg10[%swap3A_28], %broadcast_in_dim3A_10 {strides = array<i32>} : memref<176xi32, #tpu.memory_space<vmem>>, vector<16xi32>,
    %swap3A_30 = arith.constant 160 : index
    %swap3A_31 = tpu.vector_load %arg10[%swap3A_30] {strides = array<i32>} : memref<176xi32, #tpu.memory_space<vmem>>, vector<16xi32>,
    tpu.vector_store %arg10[%swap3A_30], %broadcast_in_dim3A_10 {strides = array<i32>} : memref<176xi32, #tpu.memory_space<vmem>>, vector<16xi32>,
    %scan3A = arith.constant 0 : i32
    %scan3A_32 = arith.constant 0 : i32
    %scan3A_33 = arith.constant 20 : i32
    %scan3A_34 = arith.addi %scan3A_32, %scan3A_33 : i32
    %scan3A_35 = arith.constant 1 : i32
    %scan3A_36 = scf.for %scan3A_80 = %scan3A_32 to %scan3A_34 step %scan3A_35 iter_args(%scan3A_81 = %scan3A) -> (i32)  : i32 {
      %mul3A_82 = arith.constant 16 : i32
      %mul3A_83 = arith.muli %scan3A_80, %mul3A_82 : i32
      %add3A_84 = arith.addi %min3A_3, %mul3A_83 : i32
      %get3A_85 = arith.index_cast %add3A_84 : i32 to index
      %get3A_86 = tpu.vector_load %arg8[%get3A_85] {strides = array<i32>} : memref<10016xi32, #tpu.memory_space<vmem>>, vector<16xi32>,
      %ge3A = arith.cmpi sge, %get3A_86, %get3A_7 : vector<16xi32>
      %all_reduce_population_count3A = tpu.all_reduce %ge3A {dim = 0 : i64, kind = #tpu.reduction_kind<sum>} : vector<16xi1> -> vector<16xi32>
      %slice3A = vector.extract_strided_slice %all_reduce_population_count3A {offsets = [0], sizes = [1], strides = [1]} : vector<16xi32> to vector<1xi32>
      %squeeze3A = vector.extract %slice3A[0] : i32 from vector<1xi32>
      %gt3A = arith.constant 0 : i32
      %gt3A_87 = arith.cmpi sgt, %squeeze3A, %gt3A : i32
      %convert_element_type3A = arith.extui %gt3A_87 : i1 to i32
      %cond3A = arith.constant 0 : i32
      %cond3A_88 = arith.cmpi ne, %convert_element_type3A, %cond3A : i32
      scf.if %cond3A_88 {
        %mul3A_90 = arith.constant 16 : i32
        %mul3A_91 = arith.muli %scan3A_80, %mul3A_90 : i32
        %add3A_92 = vector.broadcast %mul3A_91 : i32 to vector<16xi32>
        %add3A_93 = arith.addi %add3A_92, %iota3A : vector<16xi32>
        %swap3A_94 = arith.index_cast %scan3A_81 : i32 to index
        %swap3A_95 = tpu.vector_load %arg12[%swap3A_94] masked %ge3A {strides = array<i32>} : memref<352xi32, #tpu.memory_space<vmem>>, vector<16xi32>, vector<16xi1>
        tpu.vector_store %arg12[%swap3A_94], %add3A_93 masked %ge3A {strides = array<i32>} : memref<352xi32, #tpu.memory_space<vmem>>, vector<16xi32>, vector<16xi1>
      } else {
      }
      %add3A_89 = arith.addi %scan3A_81, %squeeze3A : i32
      scf.yield %add3A_89 : i32
    }
    %scan3A_37 = arith.constant 20 : i32
    %scan3A_38 = arith.constant 0 : i32
    %scan3A_39 = arith.constant 0 : i32
    %scan3A_40 = arith.constant 626 : i32
    %scan3A_41 = arith.addi %scan3A_39, %scan3A_40 : i32
    %scan3A_42 = arith.constant 1 : i32
    %scan3A_43 = scf.for %scan3A_80 = %scan3A_39 to %scan3A_41 step %scan3A_42 iter_args(%scan3A_81 = %scan3A_38) -> (i32)  : i32 {
      %mul3A_82 = arith.constant 16 : i32
      %mul3A_83 = arith.muli %scan3A_80, %mul3A_82 : i32
      %get3A_84 = arith.index_cast %mul3A_83 : i32 to index
      %get3A_85 = tpu.vector_load %arg8[%get3A_84] {strides = array<i32>} : memref<10016xi32, #tpu.memory_space<vmem>>, vector<16xi32>,
      %ge3A = arith.cmpi sge, %get3A_85, %get3A_9 : vector<16xi32>
      %all_reduce_population_count3A = tpu.all_reduce %ge3A {dim = 0 : i64, kind = #tpu.reduction_kind<sum>} : vector<16xi1> -> vector<16xi32>
      %slice3A = vector.extract_strided_slice %all_reduce_population_count3A {offsets = [0], sizes = [1], strides = [1]} : vector<16xi32> to vector<1xi32>
      %squeeze3A = vector.extract %slice3A[0] : i32 from vector<1xi32>
      %gt3A = arith.constant 0 : i32
      %gt3A_86 = arith.cmpi sgt, %squeeze3A, %gt3A : i32
      %convert_element_type3A = arith.extui %gt3A_86 : i1 to i32
      %cond3A = arith.constant 0 : i32
      %cond3A_87 = arith.cmpi ne, %convert_element_type3A, %cond3A : i32
      scf.if %cond3A_87 {
        %mul3A_89 = arith.constant 16 : i32
        %mul3A_90 = arith.muli %scan3A_80, %mul3A_89 : i32
        %add3A_91 = vector.broadcast %mul3A_90 : i32 to vector<16xi32>
        %add3A_92 = arith.addi %add3A_91, %iota3A : vector<16xi32>
        %swap3A_93 = arith.index_cast %scan3A_81 : i32 to index
        %swap3A_94 = tpu.vector_load %arg10[%swap3A_93] masked %ge3A {strides = array<i32>} : memref<176xi32, #tpu.memory_space<vmem>>, vector<16xi32>, vector<16xi1>
        tpu.vector_store %arg10[%swap3A_93], %get3A_85 masked %ge3A {strides = array<i32>} : memref<176xi32, #tpu.memory_space<vmem>>, vector<16xi32>, vector<16xi1>
        %swap3A_95 = arith.index_cast %scan3A_81 : i32 to index
        %swap3A_96 = tpu.vector_load %arg11[%swap3A_95] masked %ge3A {strides = array<i32>} : memref<176xi32, #tpu.memory_space<vmem>>, vector<16xi32>, vector<16xi1>
        tpu.vector_store %arg11[%swap3A_95], %add3A_92 masked %ge3A {strides = array<i32>} : memref<176xi32, #tpu.memory_space<vmem>>, vector<16xi32>, vector<16xi1>
      } else {
      }
      %add3A_88 = arith.addi %scan3A_81, %squeeze3A : i32
      scf.yield %add3A_88 : i32
    }
    %scan3A_44 = arith.constant 626 : i32
    %scan3A_45 = arith.constant 0 : i32
    %scan3A_46 = arith.constant 0 : i32
    %scan3A_47 = arith.constant 11 : i32
    %scan3A_48 = arith.addi %scan3A_46, %scan3A_47 : i32
    %scan3A_49 = arith.constant 1 : i32
    %scan3A_50 = scf.for %scan3A_80 = %scan3A_46 to %scan3A_48 step %scan3A_49 iter_args(%scan3A_81 = %scan3A_45) -> (i32)  : i32 {
      %mul3A_82 = arith.constant 16 : i32
      %mul3A_83 = arith.muli %scan3A_80, %mul3A_82 : i32
      %add3A_84 = vector.broadcast %mul3A_83 : i32 to vector<16xi32>
      %add3A_85 = arith.addi %add3A_84, %iota3A : vector<16xi32>
      %mul3A_86 = arith.constant 16 : i32
      %mul3A_87 = arith.muli %scan3A_80, %mul3A_86 : i32
      %get3A_88 = arith.index_cast %mul3A_87 : i32 to index
      %get3A_89 = tpu.vector_load %arg11[%get3A_88] {strides = array<i32>} : memref<176xi32, #tpu.memory_space<vmem>>, vector<16xi32>,
      %lt3A = vector.broadcast %scan3A_43 : i32 to vector<16xi32>
      %lt3A_90 = arith.cmpi slt, %add3A_85, %lt3A : vector<16xi32>
      %ge3A = vector.broadcast %min3A_3 : i32 to vector<16xi32>
      %ge3A_91 = arith.cmpi sge, %get3A_89, %ge3A : vector<16xi32>
      %and3A = arith.andi %lt3A_90, %ge3A_91 : vector<16xi1>
      %add3A_92 = arith.constant 320 : i32
      %add3A_93 = arith.addi %min3A_3, %add3A_92 : i32
      %lt3A_94 = vector.broadcast %add3A_93 : i32 to vector<16xi32>
      %lt3A_95 = arith.cmpi slt, %get3A_89, %lt3A_94 : vector<16xi32>
      %and3A_96 = arith.andi %and3A, %lt3A_95 : vector<16xi1>
      %swap3A_97 = arith.index_cast %scan3A_81 : i32 to index
      %swap3A_98 = tpu.vector_load %arg13[%swap3A_97] masked %and3A_96 {strides = array<i32>} : memref<192xi32, #tpu.memory_space<vmem>>, vector<16xi32>, vector<16xi1>
      tpu.vector_store %arg13[%swap3A_97], %add3A_85 masked %and3A_96 {strides = array<i32>} : memref<192xi32, #tpu.memory_space<vmem>>, vector<16xi32>, vector<16xi1>
      %all_reduce_population_count3A = tpu.all_reduce %and3A_96 {dim = 0 : i64, kind = #tpu.reduction_kind<sum>} : vector<16xi1> -> vector<16xi32>
      %slice3A = vector.extract_strided_slice %all_reduce_population_count3A {offsets = [0], sizes = [1], strides = [1]} : vector<16xi32> to vector<1xi32>
      %squeeze3A = vector.extract %slice3A[0] : i32 from vector<1xi32>
      %add3A_99 = arith.addi %scan3A_81, %squeeze3A : i32
      scf.yield %add3A_99 : i32
    }
    %scan3A_51 = arith.constant 11 : i32
    %dma_wait3A = arith.constant 0 : i32
    %dma_wait3A_52 = tpu.memref_slice %arg2[%min3A_3, %dma_wait3A] : memref<10000x128xf32, #tpu.memory_space<hbm>> -> memref<320x128xf32, #tpu.memory_space<hbm>>
    %dma_wait3A_53 = arith.constant 0 : i32
    %dma_wait3A_54 = tpu.memref_slice %arg2[%min3A_3, %dma_wait3A_53] : memref<10000x128xf32, #tpu.memory_space<hbm>> -> memref<320x128xf32, #tpu.memory_space<hbm>>
    tpu.wait_dma2 semaphore(%arg14 : memref<!tpu.dma_semaphore, #tpu.memory_space<semaphore_mem>>) src(%dma_wait3A_54 : memref<320x128xf32, #tpu.memory_space<hbm>>) dst(%arg7 : memref<320x128xf32, #tpu.memory_space<vmem>>)
    %broadcast_in_dim3A_55 = arith.constant 0.000000e+00 : f32
    %broadcast_in_dim3A_56 = vector.broadcast %broadcast_in_dim3A_55 : f32 to vector<16xf32>
    %while3A = arith.constant 0 : i32
    %while3A_57 = arith.constant 0 : i32
    %while3A_58 = arith.subi %scan3A_36, %while3A : i32
    %while3A_59 = arith.addi %while3A, %while3A_58 : i32
    %while3A_60 = arith.constant 1 : i32
    %while3A_61 = arith.divsi %while3A_58, %while3A_60 : i32
    %while3A_62 = arith.muli %while3A_61, %while3A_60 : i32
    %while3A_63 = arith.addi %while3A, %while3A_62 : i32
    %while3A_64 = arith.constant 1 : i32
    %while3A_65 = scf.for %while3A_80 = %while3A to %while3A_63 step %while3A_64 iter_args(%while3A_81 = %while3A_57) -> (i32)  : i32 {
      %get3A_82 = arith.index_cast %while3A_80 : i32 to index
      %get3A_83 = tpu.vector_load %arg12[%get3A_82] {strides = array<i32>} : memref<352xi32, #tpu.memory_space<vmem>>, vector<16xi32>,
      %slice3A = vector.extract_strided_slice %get3A_83 {offsets = [0], sizes = [1], strides = [1]} : vector<16xi32> to vector<1xi32>
      %squeeze3A = vector.extract %slice3A[0] : i32 from vector<1xi32>
      %swap3A_84 = arith.index_cast %squeeze3A : i32 to index
      %swap3A_85 = arith.constant 0 : index
      %swap3A_86 = tpu.vector_load %arg7[%swap3A_84, %swap3A_85] {strides = array<i32>} : memref<320x128xf32, #tpu.memory_space<vmem>>, vector<16xf32>,
      tpu.vector_store %arg7[%swap3A_84, %swap3A_85], %broadcast_in_dim3A_56 {strides = array<i32>} : memref<320x128xf32, #tpu.memory_space<vmem>>, vector<16xf32>,
      %swap3A_87 = arith.index_cast %squeeze3A : i32 to index
      %swap3A_88 = arith.constant 16 : index
      %swap3A_89 = tpu.vector_load %arg7[%swap3A_87, %swap3A_88] {strides = array<i32>} : memref<320x128xf32, #tpu.memory_space<vmem>>, vector<16xf32>,
      tpu.vector_store %arg7[%swap3A_87, %swap3A_88], %broadcast_in_dim3A_56 {strides = array<i32>} : memref<320x128xf32, #tpu.memory_space<vmem>>, vector<16xf32>,
      %swap3A_90 = arith.index_cast %squeeze3A : i32 to index
      %swap3A_91 = arith.constant 32 : index
      %swap3A_92 = tpu.vector_load %arg7[%swap3A_90, %swap3A_91] {strides = array<i32>} : memref<320x128xf32, #tpu.memory_space<vmem>>, vector<16xf32>,
      tpu.vector_store %arg7[%swap3A_90, %swap3A_91], %broadcast_in_dim3A_56 {strides = array<i32>} : memref<320x128xf32, #tpu.memory_space<vmem>>, vector<16xf32>,
      %swap3A_93 = arith.index_cast %squeeze3A : i32 to index
      %swap3A_94 = arith.constant 48 : index
      %swap3A_95 = tpu.vector_load %arg7[%swap3A_93, %swap3A_94] {strides = array<i32>} : memref<320x128xf32, #tpu.memory_space<vmem>>, vector<16xf32>,
      tpu.vector_store %arg7[%swap3A_93, %swap3A_94], %broadcast_in_dim3A_56 {strides = array<i32>} : memref<320x128xf32, #tpu.memory_space<vmem>>, vector<16xf32>,
      %swap3A_96 = arith.index_cast %squeeze3A : i32 to index
      %swap3A_97 = arith.constant 64 : index
      %swap3A_98 = tpu.vector_load %arg7[%swap3A_96, %swap3A_97] {strides = array<i32>} : memref<320x128xf32, #tpu.memory_space<vmem>>, vector<16xf32>,
      tpu.vector_store %arg7[%swap3A_96, %swap3A_97], %broadcast_in_dim3A_56 {strides = array<i32>} : memref<320x128xf32, #tpu.memory_space<vmem>>, vector<16xf32>,
      %swap3A_99 = arith.index_cast %squeeze3A : i32 to index
      %swap3A_100 = arith.constant 80 : index
      %swap3A_101 = tpu.vector_load %arg7[%swap3A_99, %swap3A_100] {strides = array<i32>} : memref<320x128xf32, #tpu.memory_space<vmem>>, vector<16xf32>,
      tpu.vector_store %arg7[%swap3A_99, %swap3A_100], %broadcast_in_dim3A_56 {strides = array<i32>} : memref<320x128xf32, #tpu.memory_space<vmem>>, vector<16xf32>,
      %swap3A_102 = arith.index_cast %squeeze3A : i32 to index
      %swap3A_103 = arith.constant 96 : index
      %swap3A_104 = tpu.vector_load %arg7[%swap3A_102, %swap3A_103] {strides = array<i32>} : memref<320x128xf32, #tpu.memory_space<vmem>>, vector<16xf32>,
      tpu.vector_store %arg7[%swap3A_102, %swap3A_103], %broadcast_in_dim3A_56 {strides = array<i32>} : memref<320x128xf32, #tpu.memory_space<vmem>>, vector<16xf32>,
      %swap3A_105 = arith.index_cast %squeeze3A : i32 to index
      %swap3A_106 = arith.constant 112 : index
      %swap3A_107 = tpu.vector_load %arg7[%swap3A_105, %swap3A_106] {strides = array<i32>} : memref<320x128xf32, #tpu.memory_space<vmem>>, vector<16xf32>,
      tpu.vector_store %arg7[%swap3A_105, %swap3A_106], %broadcast_in_dim3A_56 {strides = array<i32>} : memref<320x128xf32, #tpu.memory_space<vmem>>, vector<16xf32>,
      %while3A_108 = arith.constant 0 : i32
      scf.yield %while3A_108 : i32
    }
    %while3A_66 = arith.constant 1 : i32
    %while3A_67 = scf.for %while3A_80 = %while3A_63 to %while3A_59 step %while3A_66 iter_args(%while3A_81 = %while3A_65) -> (i32)  : i32 {
      %get3A_82 = arith.index_cast %while3A_80 : i32 to index
      %get3A_83 = tpu.vector_load %arg12[%get3A_82] {strides = array<i32>} : memref<352xi32, #tpu.memory_space<vmem>>, vector<16xi32>,
      %slice3A = vector.extract_strided_slice %get3A_83 {offsets = [0], sizes = [1], strides = [1]} : vector<16xi32> to vector<1xi32>
      %squeeze3A = vector.extract %slice3A[0] : i32 from vector<1xi32>
      %swap3A_84 = arith.index_cast %squeeze3A : i32 to index
      %swap3A_85 = arith.constant 0 : index
      %swap3A_86 = tpu.vector_load %arg7[%swap3A_84, %swap3A_85] {strides = array<i32>} : memref<320x128xf32, #tpu.memory_space<vmem>>, vector<16xf32>,
      tpu.vector_store %arg7[%swap3A_84, %swap3A_85], %broadcast_in_dim3A_56 {strides = array<i32>} : memref<320x128xf32, #tpu.memory_space<vmem>>, vector<16xf32>,
      %swap3A_87 = arith.index_cast %squeeze3A : i32 to index
      %swap3A_88 = arith.constant 16 : index
      %swap3A_89 = tpu.vector_load %arg7[%swap3A_87, %swap3A_88] {strides = array<i32>} : memref<320x128xf32, #tpu.memory_space<vmem>>, vector<16xf32>,
      tpu.vector_store %arg7[%swap3A_87, %swap3A_88], %broadcast_in_dim3A_56 {strides = array<i32>} : memref<320x128xf32, #tpu.memory_space<vmem>>, vector<16xf32>,
      %swap3A_90 = arith.index_cast %squeeze3A : i32 to index
      %swap3A_91 = arith.constant 32 : index
      %swap3A_92 = tpu.vector_load %arg7[%swap3A_90, %swap3A_91] {strides = array<i32>} : memref<320x128xf32, #tpu.memory_space<vmem>>, vector<16xf32>,
      tpu.vector_store %arg7[%swap3A_90, %swap3A_91], %broadcast_in_dim3A_56 {strides = array<i32>} : memref<320x128xf32, #tpu.memory_space<vmem>>, vector<16xf32>,
      %swap3A_93 = arith.index_cast %squeeze3A : i32 to index
      %swap3A_94 = arith.constant 48 : index
      %swap3A_95 = tpu.vector_load %arg7[%swap3A_93, %swap3A_94] {strides = array<i32>} : memref<320x128xf32, #tpu.memory_space<vmem>>, vector<16xf32>,
      tpu.vector_store %arg7[%swap3A_93, %swap3A_94], %broadcast_in_dim3A_56 {strides = array<i32>} : memref<320x128xf32, #tpu.memory_space<vmem>>, vector<16xf32>,
      %swap3A_96 = arith.index_cast %squeeze3A : i32 to index
      %swap3A_97 = arith.constant 64 : index
      %swap3A_98 = tpu.vector_load %arg7[%swap3A_96, %swap3A_97] {strides = array<i32>} : memref<320x128xf32, #tpu.memory_space<vmem>>, vector<16xf32>,
      tpu.vector_store %arg7[%swap3A_96, %swap3A_97], %broadcast_in_dim3A_56 {strides = array<i32>} : memref<320x128xf32, #tpu.memory_space<vmem>>, vector<16xf32>,
      %swap3A_99 = arith.index_cast %squeeze3A : i32 to index
      %swap3A_100 = arith.constant 80 : index
      %swap3A_101 = tpu.vector_load %arg7[%swap3A_99, %swap3A_100] {strides = array<i32>} : memref<320x128xf32, #tpu.memory_space<vmem>>, vector<16xf32>,
      tpu.vector_store %arg7[%swap3A_99, %swap3A_100], %broadcast_in_dim3A_56 {strides = array<i32>} : memref<320x128xf32, #tpu.memory_space<vmem>>, vector<16xf32>,
      %swap3A_102 = arith.index_cast %squeeze3A : i32 to index
      %swap3A_103 = arith.constant 96 : index
      %swap3A_104 = tpu.vector_load %arg7[%swap3A_102, %swap3A_103] {strides = array<i32>} : memref<320x128xf32, #tpu.memory_space<vmem>>, vector<16xf32>,
      tpu.vector_store %arg7[%swap3A_102, %swap3A_103], %broadcast_in_dim3A_56 {strides = array<i32>} : memref<320x128xf32, #tpu.memory_space<vmem>>, vector<16xf32>,
      %swap3A_105 = arith.index_cast %squeeze3A : i32 to index
      %swap3A_106 = arith.constant 112 : index
      %swap3A_107 = tpu.vector_load %arg7[%swap3A_105, %swap3A_106] {strides = array<i32>} : memref<320x128xf32, #tpu.memory_space<vmem>>, vector<16xf32>,
      tpu.vector_store %arg7[%swap3A_105, %swap3A_106], %broadcast_in_dim3A_56 {strides = array<i32>} : memref<320x128xf32, #tpu.memory_space<vmem>>, vector<16xf32>,
      %while3A_108 = arith.constant 0 : i32
      scf.yield %while3A_108 : i32
    }
    %while3A_68 = arith.constant 0 : i32
    %while3A_69 = arith.constant 0 : i32
    %while3A_70 = arith.subi %scan3A_50, %while3A_68 : i32
    %while3A_71 = arith.addi %while3A_68, %while3A_70 : i32
    %while3A_72 = arith.constant 1 : i32
    %while3A_73 = arith.divsi %while3A_70, %while3A_72 : i32
    %while3A_74 = arith.muli %while3A_73, %while3A_72 : i32
    %while3A_75 = arith.addi %while3A_68, %while3A_74 : i32
    %while3A_76 = arith.constant 1 : i32
    %while3A_77 = scf.for %while3A_80 = %while3A_68 to %while3A_75 step %while3A_76 iter_args(%while3A_81 = %while3A_69) -> (i32)  : i32 {
      %get3A_82 = arith.index_cast %while3A_80 : i32 to index
      %get3A_83 = tpu.vector_load %arg13[%get3A_82] {strides = array<i32>} : memref<192xi32, #tpu.memory_space<vmem>>, vector<16xi32>,
      %slice3A = vector.extract_strided_slice %get3A_83 {offsets = [0], sizes = [1], strides = [1]} : vector<16xi32> to vector<1xi32>
      %squeeze3A = vector.extract %slice3A[0] : i32 from vector<1xi32>
      %get3A_84 = arith.index_cast %squeeze3A : i32 to index
      %get3A_85 = tpu.vector_load %arg10[%get3A_84] {strides = array<i32>} : memref<176xi32, #tpu.memory_space<vmem>>, vector<16xi32>,
      %slice3A_86 = vector.extract_strided_slice %get3A_85 {offsets = [0], sizes = [1], strides = [1]} : vector<16xi32> to vector<1xi32>
      %squeeze3A_87 = vector.extract %slice3A_86[0] : i32 from vector<1xi32>
      %get3A_88 = arith.index_cast %squeeze3A : i32 to index
      %get3A_89 = tpu.vector_load %arg11[%get3A_88] {strides = array<i32>} : memref<176xi32, #tpu.memory_space<vmem>>, vector<16xi32>,
      %slice3A_90 = vector.extract_strided_slice %get3A_89 {offsets = [0], sizes = [1], strides = [1]} : vector<16xi32> to vector<1xi32>
      %squeeze3A_91 = vector.extract %slice3A_90[0] : i32 from vector<1xi32>
      %broadcast_in_dim3A_92 = vector.broadcast %squeeze3A_87 : i32 to vector<16xi32>
      %broadcast_in_dim3A_93 = vector.broadcast %squeeze3A_91 : i32 to vector<16xi32>
      %scan3A_94 = arith.constant 0 : i32
      %scan3A_95 = arith.constant 0 : i32
      %scan3A_96 = arith.constant 11 : i32
      %scan3A_97 = arith.addi %scan3A_95, %scan3A_96 : i32
      %scan3A_98 = arith.constant 1 : i32
      %scan3A_99 = scf.for %scan3A_106 = %scan3A_95 to %scan3A_97 step %scan3A_98 iter_args(%scan3A_107 = %scan3A_94) -> (i32)  : i32 {
        %mul3A_108 = arith.constant 16 : i32
        %mul3A_109 = arith.muli %scan3A_106, %mul3A_108 : i32
        %get3A_110 = arith.index_cast %mul3A_109 : i32 to index
        %get3A_111 = tpu.vector_load %arg10[%get3A_110] {strides = array<i32>} : memref<176xi32, #tpu.memory_space<vmem>>, vector<16xi32>,
        %mul3A_112 = arith.constant 16 : i32
        %mul3A_113 = arith.muli %scan3A_106, %mul3A_112 : i32
        %get3A_114 = arith.index_cast %mul3A_113 : i32 to index
        %get3A_115 = tpu.vector_load %arg11[%get3A_114] {strides = array<i32>} : memref<176xi32, #tpu.memory_space<vmem>>, vector<16xi32>,
        %gt3A = arith.cmpi sgt, %get3A_111, %broadcast_in_dim3A_92 : vector<16xi32>
        %eq3A = arith.cmpi eq, %get3A_111, %broadcast_in_dim3A_92 : vector<16xi32>
        %lt3A = arith.cmpi slt, %get3A_115, %broadcast_in_dim3A_93 : vector<16xi32>
        %and3A = arith.andi %eq3A, %lt3A : vector<16xi1>
        %or3A = arith.ori %gt3A, %and3A : vector<16xi1>
        %all_reduce_population_count3A = tpu.all_reduce %or3A {dim = 0 : i64, kind = #tpu.reduction_kind<sum>} : vector<16xi1> -> vector<16xi32>
        %slice3A_116 = vector.extract_strided_slice %all_reduce_population_count3A {offsets = [0], sizes = [1], strides = [1]} : vector<16xi32> to vector<1xi32>
        %squeeze3A_117 = vector.extract %slice3A_116[0] : i32 from vector<1xi32>
        %add3A_118 = arith.addi %scan3A_107, %squeeze3A_117 : i32
        scf.yield %add3A_118 : i32
      }
      %scan3A_100 = arith.constant 11 : i32
      %min3A_101 = arith.constant 149 : i32
      %min3A_102 = arith.minsi %scan3A_99, %min3A_101 : i32
      %mul3A_103 = arith.constant 128 : i32
      %mul3A_104 = arith.muli %min3A_102, %mul3A_103 : i32
      %sub3A = arith.subi %squeeze3A_91, %min3A_3 : i32
      "tpu.region"() ({
        %run_scoped3A = tpu.sem_alloc : memref<!tpu.dma_semaphore, #tpu.memory_space<semaphore_mem>>
        %dma_start3A_106 = arith.constant 0 : i32
        %dma_start3A_107 = tpu.memref_slice %arg7[%sub3A, %dma_start3A_106] : memref<320x128xf32, #tpu.memory_space<vmem>> -> memref<1x128xf32, #tpu.memory_space<vmem>>
        %dma_start3A_108 = tpu.memref_squeeze %dma_start3A_107 : memref<1x128xf32, #tpu.memory_space<vmem>> -> memref<128xf32, #tpu.memory_space<vmem>>
        %dma_start3A_109 = tpu.memref_slice %arg5[%mul3A_104] : memref<19200xf32, #tpu.memory_space<hbm>> -> memref<128xf32, #tpu.memory_space<hbm>>
        %dma_start3A_110 = arith.constant 0 : i32
        %dma_start3A_111 = tpu.memref_slice %arg7[%sub3A, %dma_start3A_110] : memref<320x128xf32, #tpu.memory_space<vmem>> -> memref<1x128xf32, #tpu.memory_space<vmem>>
        %dma_start3A_112 = tpu.memref_squeeze %dma_start3A_111 : memref<1x128xf32, #tpu.memory_space<vmem>> -> memref<128xf32, #tpu.memory_space<vmem>>
        %dma_start3A_113 = tpu.memref_slice %arg5[%mul3A_104] : memref<19200xf32, #tpu.memory_space<hbm>> -> memref<128xf32, #tpu.memory_space<hbm>>
        tpu.enqueue_dma source(%dma_start3A_113 : memref<128xf32, #tpu.memory_space<hbm>>) target(%dma_start3A_112 : memref<128xf32, #tpu.memory_space<vmem>>) target_semaphore(%run_scoped3A : memref<!tpu.dma_semaphore, #tpu.memory_space<semaphore_mem>>)
        %dma_wait3A_114 = arith.constant 0 : i32
        %dma_wait3A_115 = tpu.memref_slice %arg7[%sub3A, %dma_wait3A_114] : memref<320x128xf32, #tpu.memory_space<vmem>> -> memref<1x128xf32, #tpu.memory_space<vmem>>
        %dma_wait3A_116 = tpu.memref_squeeze %dma_wait3A_115 : memref<1x128xf32, #tpu.memory_space<vmem>> -> memref<128xf32, #tpu.memory_space<vmem>>
        %dma_wait3A_117 = tpu.memref_slice %arg5[%mul3A_104] : memref<19200xf32, #tpu.memory_space<hbm>> -> memref<128xf32, #tpu.memory_space<hbm>>
        %dma_wait3A_118 = arith.constant 0 : i32
        %dma_wait3A_119 = tpu.memref_slice %arg7[%sub3A, %dma_wait3A_118] : memref<320x128xf32, #tpu.memory_space<vmem>> -> memref<1x128xf32, #tpu.memory_space<vmem>>
        %dma_wait3A_120 = tpu.memref_squeeze %dma_wait3A_119 : memref<1x128xf32, #tpu.memory_space<vmem>> -> memref<128xf32, #tpu.memory_space<vmem>>
        %dma_wait3A_121 = tpu.memref_slice %arg5[%mul3A_104] : memref<19200xf32, #tpu.memory_space<hbm>> -> memref<128xf32, #tpu.memory_space<hbm>>
        tpu.wait_dma2 semaphore(%run_scoped3A : memref<!tpu.dma_semaphore, #tpu.memory_space<semaphore_mem>>) src(%dma_wait3A_121 : memref<128xf32, #tpu.memory_space<hbm>>) dst(%dma_wait3A_120 : memref<128xf32, #tpu.memory_space<vmem>>)
        tpu.yield
      }) : () -> ()
      %while3A_105 = arith.constant 0 : i32
      scf.yield %while3A_105 : i32
    }
    %while3A_78 = arith.constant 1 : i32
    %while3A_79 = scf.for %while3A_80 = %while3A_75 to %while3A_71 step %while3A_78 iter_args(%while3A_81 = %while3A_77) -> (i32)  : i32 {
      %get3A_82 = arith.index_cast %while3A_80 : i32 to index
      %get3A_83 = tpu.vector_load %arg13[%get3A_82] {strides = array<i32>} : memref<192xi32, #tpu.memory_space<vmem>>, vector<16xi32>,
      %slice3A = vector.extract_strided_slice %get3A_83 {offsets = [0], sizes = [1], strides = [1]} : vector<16xi32> to vector<1xi32>
      %squeeze3A = vector.extract %slice3A[0] : i32 from vector<1xi32>
      %get3A_84 = arith.index_cast %squeeze3A : i32 to index
      %get3A_85 = tpu.vector_load %arg10[%get3A_84] {strides = array<i32>} : memref<176xi32, #tpu.memory_space<vmem>>, vector<16xi32>,
      %slice3A_86 = vector.extract_strided_slice %get3A_85 {offsets = [0], sizes = [1], strides = [1]} : vector<16xi32> to vector<1xi32>
      %squeeze3A_87 = vector.extract %slice3A_86[0] : i32 from vector<1xi32>
      %get3A_88 = arith.index_cast %squeeze3A : i32 to index
      %get3A_89 = tpu.vector_load %arg11[%get3A_88] {strides = array<i32>} : memref<176xi32, #tpu.memory_space<vmem>>, vector<16xi32>,
      %slice3A_90 = vector.extract_strided_slice %get3A_89 {offsets = [0], sizes = [1], strides = [1]} : vector<16xi32> to vector<1xi32>
      %squeeze3A_91 = vector.extract %slice3A_90[0] : i32 from vector<1xi32>
      %broadcast_in_dim3A_92 = vector.broadcast %squeeze3A_87 : i32 to vector<16xi32>
      %broadcast_in_dim3A_93 = vector.broadcast %squeeze3A_91 : i32 to vector<16xi32>
      %scan3A_94 = arith.constant 0 : i32
      %scan3A_95 = arith.constant 0 : i32
      %scan3A_96 = arith.constant 11 : i32
      %scan3A_97 = arith.addi %scan3A_95, %scan3A_96 : i32
      %scan3A_98 = arith.constant 1 : i32
      %scan3A_99 = scf.for %scan3A_106 = %scan3A_95 to %scan3A_97 step %scan3A_98 iter_args(%scan3A_107 = %scan3A_94) -> (i32)  : i32 {
        %mul3A_108 = arith.constant 16 : i32
        %mul3A_109 = arith.muli %scan3A_106, %mul3A_108 : i32
        %get3A_110 = arith.index_cast %mul3A_109 : i32 to index
        %get3A_111 = tpu.vector_load %arg10[%get3A_110] {strides = array<i32>} : memref<176xi32, #tpu.memory_space<vmem>>, vector<16xi32>,
        %mul3A_112 = arith.constant 16 : i32
        %mul3A_113 = arith.muli %scan3A_106, %mul3A_112 : i32
        %get3A_114 = arith.index_cast %mul3A_113 : i32 to index
        %get3A_115 = tpu.vector_load %arg11[%get3A_114] {strides = array<i32>} : memref<176xi32, #tpu.memory_space<vmem>>, vector<16xi32>,
        %gt3A = arith.cmpi sgt, %get3A_111, %broadcast_in_dim3A_92 : vector<16xi32>
        %eq3A = arith.cmpi eq, %get3A_111, %broadcast_in_dim3A_92 : vector<16xi32>
        %lt3A = arith.cmpi slt, %get3A_115, %broadcast_in_dim3A_93 : vector<16xi32>
        %and3A = arith.andi %eq3A, %lt3A : vector<16xi1>
        %or3A = arith.ori %gt3A, %and3A : vector<16xi1>
        %all_reduce_population_count3A = tpu.all_reduce %or3A {dim = 0 : i64, kind = #tpu.reduction_kind<sum>} : vector<16xi1> -> vector<16xi32>
        %slice3A_116 = vector.extract_strided_slice %all_reduce_population_count3A {offsets = [0], sizes = [1], strides = [1]} : vector<16xi32> to vector<1xi32>
        %squeeze3A_117 = vector.extract %slice3A_116[0] : i32 from vector<1xi32>
        %add3A_118 = arith.addi %scan3A_107, %squeeze3A_117 : i32
        scf.yield %add3A_118 : i32
      }
      %scan3A_100 = arith.constant 11 : i32
      %min3A_101 = arith.constant 149 : i32
      %min3A_102 = arith.minsi %scan3A_99, %min3A_101 : i32
      %mul3A_103 = arith.constant 128 : i32
      %mul3A_104 = arith.muli %min3A_102, %mul3A_103 : i32
      %sub3A = arith.subi %squeeze3A_91, %min3A_3 : i32
      "tpu.region"() ({
        %run_scoped3A = tpu.sem_alloc : memref<!tpu.dma_semaphore, #tpu.memory_space<semaphore_mem>>
        %dma_start3A_106 = arith.constant 0 : i32
        %dma_start3A_107 = tpu.memref_slice %arg7[%sub3A, %dma_start3A_106] : memref<320x128xf32, #tpu.memory_space<vmem>> -> memref<1x128xf32, #tpu.memory_space<vmem>>
        %dma_start3A_108 = tpu.memref_squeeze %dma_start3A_107 : memref<1x128xf32, #tpu.memory_space<vmem>> -> memref<128xf32, #tpu.memory_space<vmem>>
        %dma_start3A_109 = tpu.memref_slice %arg5[%mul3A_104] : memref<19200xf32, #tpu.memory_space<hbm>> -> memref<128xf32, #tpu.memory_space<hbm>>
        %dma_start3A_110 = arith.constant 0 : i32
        %dma_start3A_111 = tpu.memref_slice %arg7[%sub3A, %dma_start3A_110] : memref<320x128xf32, #tpu.memory_space<vmem>> -> memref<1x128xf32, #tpu.memory_space<vmem>>
        %dma_start3A_112 = tpu.memref_squeeze %dma_start3A_111 : memref<1x128xf32, #tpu.memory_space<vmem>> -> memref<128xf32, #tpu.memory_space<vmem>>
        %dma_start3A_113 = tpu.memref_slice %arg5[%mul3A_104] : memref<19200xf32, #tpu.memory_space<hbm>> -> memref<128xf32, #tpu.memory_space<hbm>>
        tpu.enqueue_dma source(%dma_start3A_113 : memref<128xf32, #tpu.memory_space<hbm>>) target(%dma_start3A_112 : memref<128xf32, #tpu.memory_space<vmem>>) target_semaphore(%run_scoped3A : memref<!tpu.dma_semaphore, #tpu.memory_space<semaphore_mem>>)
        %dma_wait3A_114 = arith.constant 0 : i32
        %dma_wait3A_115 = tpu.memref_slice %arg7[%sub3A, %dma_wait3A_114] : memref<320x128xf32, #tpu.memory_space<vmem>> -> memref<1x128xf32, #tpu.memory_space<vmem>>
        %dma_wait3A_116 = tpu.memref_squeeze %dma_wait3A_115 : memref<1x128xf32, #tpu.memory_space<vmem>> -> memref<128xf32, #tpu.memory_space<vmem>>
        %dma_wait3A_117 = tpu.memref_slice %arg5[%mul3A_104] : memref<19200xf32, #tpu.memory_space<hbm>> -> memref<128xf32, #tpu.memory_space<hbm>>
        %dma_wait3A_118 = arith.constant 0 : i32
        %dma_wait3A_119 = tpu.memref_slice %arg7[%sub3A, %dma_wait3A_118] : memref<320x128xf32, #tpu.memory_space<vmem>> -> memref<1x128xf32, #tpu.memory_space<vmem>>
        %dma_wait3A_120 = tpu.memref_squeeze %dma_wait3A_119 : memref<1x128xf32, #tpu.memory_space<vmem>> -> memref<128xf32, #tpu.memory_space<vmem>>
        %dma_wait3A_121 = tpu.memref_slice %arg5[%mul3A_104] : memref<19200xf32, #tpu.memory_space<hbm>> -> memref<128xf32, #tpu.memory_space<hbm>>
        tpu.wait_dma2 semaphore(%run_scoped3A : memref<!tpu.dma_semaphore, #tpu.memory_space<semaphore_mem>>) src(%dma_wait3A_121 : memref<128xf32, #tpu.memory_space<hbm>>) dst(%dma_wait3A_120 : memref<128xf32, #tpu.memory_space<vmem>>)
        tpu.yield
      }) : () -> ()
      %while3A_105 = arith.constant 0 : i32
      scf.yield %while3A_105 : i32
    }
    "tpu.region"() ({
      %run_scoped3A = tpu.sem_alloc : memref<!tpu.dma_semaphore, #tpu.memory_space<semaphore_mem>>
      %dma_start3A_80 = arith.constant 0 : i32
      %dma_start3A_81 = tpu.memref_slice %arg6[%min3A_3, %dma_start3A_80] : memref<10000x128xf32, #tpu.memory_space<hbm>> -> memref<320x128xf32, #tpu.memory_space<hbm>>
      %dma_start3A_82 = arith.constant 0 : i32
      %dma_start3A_83 = tpu.memref_slice %arg6[%min3A_3, %dma_start3A_82] : memref<10000x128xf32, #tpu.memory_space<hbm>> -> memref<320x128xf32, #tpu.memory_space<hbm>>
      tpu.enqueue_dma source(%arg7 : memref<320x128xf32, #tpu.memory_space<vmem>>) target(%dma_start3A_83 : memref<320x128xf32, #tpu.memory_space<hbm>>) target_semaphore(%run_scoped3A : memref<!tpu.dma_semaphore, #tpu.memory_space<semaphore_mem>>)
      %dma_wait3A_84 = arith.constant 0 : i32
      %dma_wait3A_85 = tpu.memref_slice %arg6[%min3A_3, %dma_wait3A_84] : memref<10000x128xf32, #tpu.memory_space<hbm>> -> memref<320x128xf32, #tpu.memory_space<hbm>>
      %dma_wait3A_86 = arith.constant 0 : i32
      %dma_wait3A_87 = tpu.memref_slice %arg6[%min3A_3, %dma_wait3A_86] : memref<10000x128xf32, #tpu.memory_space<hbm>> -> memref<320x128xf32, #tpu.memory_space<hbm>>
      tpu.wait_dma2 semaphore(%run_scoped3A : memref<!tpu.dma_semaphore, #tpu.memory_space<semaphore_mem>>) src(%arg7 : memref<320x128xf32, #tpu.memory_space<vmem>>) dst(%dma_wait3A_87 : memref<320x128xf32, #tpu.memory_space<hbm>>)
      tpu.yield
    }) : () -> ()
    return
  }
}

#map = affine_map<(d0, d1) -> (0)>
#map1 = affine_map<(d0, d1) -> (0, 0, 0)>
module attributes {stable_mosaic.version = 14 : i64} {
  func.func @_bincount_body(%arg0: i32, %arg1: i32, %arg2: memref<640000xi32, #tpu.memory_space<hbm>>, %arg3: memref<32x1x10016xi32, #tpu.memory_space<hbm>>, %arg4: memref<20000xi32, #tpu.memory_space<vmem>>, %arg5: memref<10016xi32, #tpu.memory_space<vmem>>) attributes {dimension_semantics = [#tpu.dimension_semantics<core_parallel>, #tpu.dimension_semantics<subcore_parallel>], iteration_bounds = array<i64: 2, 16>, scalar_prefetch = 0 : i64, scratch_operands = 2 : i64, tpu.core_type = #tpu.core_type<sc_vector_subcore>, window_params = [{transform_indices = #map}, {transform_indices = #map1}]} {
    %mul3A = arith.constant 2 : i32
    %mul3A_0 = arith.muli %arg1, %mul3A : i32
    %add3A = arith.addi %mul3A_0, %arg0 : i32
    %mul3A_1 = arith.constant 20000 : i32
    %mul3A_2 = arith.muli %add3A, %mul3A_1 : i32
    "tpu.region"() ({
      %run_scoped3A_11 = tpu.sem_alloc : memref<!tpu.dma_semaphore, #tpu.memory_space<semaphore_mem>>
      %dma_start3A = tpu.memref_slice %arg2[%mul3A_2] : memref<640000xi32, #tpu.memory_space<hbm>> -> memref<20000xi32, #tpu.memory_space<hbm>>
      %dma_start3A_12 = tpu.memref_slice %arg2[%mul3A_2] : memref<640000xi32, #tpu.memory_space<hbm>> -> memref<20000xi32, #tpu.memory_space<hbm>>
      tpu.enqueue_dma source(%dma_start3A_12 : memref<20000xi32, #tpu.memory_space<hbm>>) target(%arg4 : memref<20000xi32, #tpu.memory_space<vmem>>) target_semaphore(%run_scoped3A_11 : memref<!tpu.dma_semaphore, #tpu.memory_space<semaphore_mem>>)
      %dma_wait3A = tpu.memref_slice %arg2[%mul3A_2] : memref<640000xi32, #tpu.memory_space<hbm>> -> memref<20000xi32, #tpu.memory_space<hbm>>
      %dma_wait3A_13 = tpu.memref_slice %arg2[%mul3A_2] : memref<640000xi32, #tpu.memory_space<hbm>> -> memref<20000xi32, #tpu.memory_space<hbm>>
      tpu.wait_dma2 semaphore(%run_scoped3A_11 : memref<!tpu.dma_semaphore, #tpu.memory_space<semaphore_mem>>) src(%dma_wait3A_13 : memref<20000xi32, #tpu.memory_space<hbm>>) dst(%arg4 : memref<20000xi32, #tpu.memory_space<vmem>>)
      tpu.yield
    }) : () -> ()
    %broadcast_in_dim3A = arith.constant 0 : i32
    %broadcast_in_dim3A_3 = vector.broadcast %broadcast_in_dim3A : i32 to vector<16xi32>
    %parallel_loop3A = arith.constant 0 : i32
    %parallel_loop3A_4 = arith.constant 626 : i32
    %parallel_loop3A_5 = arith.constant 1 : i32
    scf.for %parallel_loop3A_11 = %parallel_loop3A to %parallel_loop3A_4 step %parallel_loop3A_5  : i32 {
      %parallel_loop3A_12 = arith.constant 16 : i32
      %parallel_loop3A_13 = arith.muli %parallel_loop3A_11, %parallel_loop3A_12 : i32
      %parallel_loop3A_14 = arith.index_cast %parallel_loop3A_13 : i32 to index
      %parallel_loop3A_15 = tpu.vector_load %arg5[%parallel_loop3A_14] {strides = array<i32>} : memref<10016xi32, #tpu.memory_space<vmem>>, vector<16xi32>,
      tpu.vector_store %arg5[%parallel_loop3A_14], %broadcast_in_dim3A_3 {strides = array<i32>} : memref<10016xi32, #tpu.memory_space<vmem>>, vector<16xi32>,
    } {sc.loop_unroll_factor = 8 : i64, sc.parallel_access}
    %broadcast_in_dim3A_6 = arith.constant 1 : i32
    %broadcast_in_dim3A_7 = vector.broadcast %broadcast_in_dim3A_6 : i32 to vector<16xi32>
    %parallel_loop3A_8 = arith.constant 0 : i32
    %parallel_loop3A_9 = arith.constant 1250 : i32
    %parallel_loop3A_10 = arith.constant 1 : i32
    scf.for %parallel_loop3A_11 = %parallel_loop3A_8 to %parallel_loop3A_9 step %parallel_loop3A_10  : i32 {
      %parallel_loop3A_12 = arith.constant 16 : i32
      %parallel_loop3A_13 = arith.muli %parallel_loop3A_11, %parallel_loop3A_12 : i32
      %parallel_loop3A_14 = arith.index_cast %parallel_loop3A_13 : i32 to index
      %parallel_loop3A_15 = tpu.vector_load %arg4[%parallel_loop3A_14] {strides = array<i32>} : memref<20000xi32, #tpu.memory_space<vmem>>, vector<16xi32>,
      tpu.vector_store_idx %arg5[%parallel_loop3A_15], %broadcast_in_dim3A_7 {add = true} : memref<10016xi32, #tpu.memory_space<vmem>>[vector<16xi32>], vector<16xi32>,
    } {sc.loop_unroll_factor = 8 : i64, sc.parallel_access}
    %run_scoped3A = arith.constant 0 : i32
    "tpu.region"() ({
      %run_scoped3A_11 = tpu.sem_alloc : memref<!tpu.dma_semaphore, #tpu.memory_space<semaphore_mem>>
      %dma_start3A = arith.constant 0 : i32
      %dma_start3A_12 = tpu.memref_slice %arg3[%add3A, %run_scoped3A, %dma_start3A] : memref<32x1x10016xi32, #tpu.memory_space<hbm>> -> memref<1x1x10016xi32, #tpu.memory_space<hbm>>
      %dma_start3A_13 = tpu.memref_squeeze %dma_start3A_12 : memref<1x1x10016xi32, #tpu.memory_space<hbm>> -> memref<10016xi32, #tpu.memory_space<hbm>>
      %dma_start3A_14 = arith.constant 0 : i32
      %dma_start3A_15 = tpu.memref_slice %arg3[%add3A, %run_scoped3A, %dma_start3A_14] : memref<32x1x10016xi32, #tpu.memory_space<hbm>> -> memref<1x1x10016xi32, #tpu.memory_space<hbm>>
      %dma_start3A_16 = tpu.memref_squeeze %dma_start3A_15 : memref<1x1x10016xi32, #tpu.memory_space<hbm>> -> memref<10016xi32, #tpu.memory_space<hbm>>
      tpu.enqueue_dma source(%arg5 : memref<10016xi32, #tpu.memory_space<vmem>>) target(%dma_start3A_16 : memref<10016xi32, #tpu.memory_space<hbm>>) target_semaphore(%run_scoped3A_11 : memref<!tpu.dma_semaphore, #tpu.memory_space<semaphore_mem>>)
      %dma_wait3A = arith.constant 0 : i32
      %dma_wait3A_17 = tpu.memref_slice %arg3[%add3A, %run_scoped3A, %dma_wait3A] : memref<32x1x10016xi32, #tpu.memory_space<hbm>> -> memref<1x1x10016xi32, #tpu.memory_space<hbm>>
      %dma_wait3A_18 = tpu.memref_squeeze %dma_wait3A_17 : memref<1x1x10016xi32, #tpu.memory_space<hbm>> -> memref<10016xi32, #tpu.memory_space<hbm>>
      %dma_wait3A_19 = arith.constant 0 : i32
      %dma_wait3A_20 = tpu.memref_slice %arg3[%add3A, %run_scoped3A, %dma_wait3A_19] : memref<32x1x10016xi32, #tpu.memory_space<hbm>> -> memref<1x1x10016xi32, #tpu.memory_space<hbm>>
      %dma_wait3A_21 = tpu.memref_squeeze %dma_wait3A_20 : memref<1x1x10016xi32, #tpu.memory_space<hbm>> -> memref<10016xi32, #tpu.memory_space<hbm>>
      tpu.wait_dma2 semaphore(%run_scoped3A_11 : memref<!tpu.dma_semaphore, #tpu.memory_space<semaphore_mem>>) src(%arg5 : memref<10016xi32, #tpu.memory_space<vmem>>) dst(%dma_wait3A_21 : memref<10016xi32, #tpu.memory_space<hbm>>)
      tpu.yield
    }) : () -> ()
    return
  }
}

module attributes {stable_mosaic.version = 14 : i64} {
  func.func @_tc_score_body(%arg0: memref<32x10016xi32, #tpu.memory_space<vmem>>, %arg1: memref<1x10016xf32, #tpu.memory_space<vmem>>, %arg2: memref<1x10000xi32, #tpu.memory_space<vmem>>, %arg3: memref<1x10016xi32, #tpu.memory_space<vmem>>, %arg4: memref<1x32xi32, #tpu.memory_space<vmem>>) attributes {dimension_semantics = [], scalar_prefetch = 0 : i64, scratch_operands = 0 : i64, tpu.core_type = #tpu.core_type<tc>} {
    %iota3A = tpu.iota {dimensions = array<i32: 1>} : vector<1x10016xi32>
    %lt3A = arith.constant 10000 : i32
    %lt3A_0 = vector.broadcast %lt3A : i32 to vector<1x10016xi32>
    %lt3A_1 = arith.cmpi slt, %iota3A, %lt3A_0 : vector<1x10016xi32>
    %get3A = arith.constant 0 : index
    %get3A_2 = arith.constant 0 : index
    %get3A_3 = vector.load %arg0[%get3A, %get3A_2] : memref<32x10016xi32, #tpu.memory_space<vmem>>, vector<32x10016xi32>
    %reduce_sum3A = arith.constant dense<0> : vector<10016xi32>
    %reduce_sum3A_4 = vector.multi_reduction <add>, %get3A_3, %reduce_sum3A [0] : vector<32x10016xi32> to vector<10016xi32>
    %broadcast_in_dim3A = vector.shape_cast %reduce_sum3A_4 : vector<10016xi32> to vector<1x10016xi32>
    %convert_element_type3A = arith.sitofp %broadcast_in_dim3A : vector<1x10016xi32> to vector<1x10016xf32>
    %reduce_max3A = vector.shape_cast %convert_element_type3A : vector<1x10016xf32> to vector<1x1x10016xf32>
    %reduce_max3A_5 = arith.constant dense<0xFF800000> : vector<1xf32>
    %reduce_max3A_6 = vector.multi_reduction <maximumf>, %reduce_max3A, %reduce_max3A_5 [1, 2] : vector<1x1x10016xf32> to vector<1xf32>
    %reduce_max3A_7 = vector.shape_cast %reduce_max3A_6 : vector<1xf32> to vector<1x1x1xf32>
    %reduce_max3A_8 = vector.extract %reduce_max3A_7[0, 0, 0] : f32 from vector<1x1x1xf32>
    %sub3A = vector.broadcast %reduce_max3A_8 : f32 to vector<1x10016xf32>
    %sub3A_9 = arith.subf %convert_element_type3A, %sub3A : vector<1x10016xf32>
    %exp3A = math.exp %sub3A_9 : vector<1x10016xf32>
    %jit3A = arith.constant 0.000000e+00 : f32
    %broadcast_in_dim3A_10 = vector.broadcast %jit3A : f32 to vector<1x10016xf32>
    %select_n3A = arith.select %lt3A_1, %exp3A, %broadcast_in_dim3A_10 : vector<1x10016xi1>, vector<1x10016xf32>
    %reduce_sum3A_11 = vector.shape_cast %select_n3A : vector<1x10016xf32> to vector<1x1x10016xf32>
    %reduce_sum3A_12 = arith.constant dense<0.000000e+00> : vector<1xf32>
    %reduce_sum3A_13 = vector.multi_reduction <add>, %reduce_sum3A_11, %reduce_sum3A_12 [1, 2] : vector<1x1x10016xf32> to vector<1xf32>
    %reduce_sum3A_14 = vector.shape_cast %reduce_sum3A_13 : vector<1xf32> to vector<1x1x1xf32>
    %reduce_sum3A_15 = vector.extract %reduce_sum3A_14[0, 0, 0] : f32 from vector<1x1x1xf32>
    %div3A = vector.broadcast %reduce_sum3A_15 : f32 to vector<1x10016xf32>
    %div3A_16 = arith.divf %select_n3A, %div3A : vector<1x10016xf32>
    %add3A = arith.constant 9.99999968E-21 : f32
    %add3A_17 = vector.broadcast %add3A : f32 to vector<1x10016xf32>
    %add3A_18 = arith.addf %div3A_16, %add3A_17 : vector<1x10016xf32>
    %log3A = math.log %add3A_18 : vector<1x10016xf32>
    %get3A_19 = arith.constant 0 : index
    %get3A_20 = arith.constant 0 : index
    %get3A_21 = vector.load %arg1[%get3A_19, %get3A_20] : memref<1x10016xf32, #tpu.memory_space<vmem>>, vector<1x10016xf32>
    %add3A_22 = arith.addf %log3A, %get3A_21 : vector<1x10016xf32>
    %bitcast_convert_type3A = tpu.bitcast %add3A_22 : vector<1x10016xf32> -> vector<1x10016xi32>
    %lt3A_23 = arith.constant 0 : i32
    %lt3A_24 = vector.broadcast %lt3A_23 : i32 to vector<1x10016xi32>
    %lt3A_25 = arith.cmpi slt, %bitcast_convert_type3A, %lt3A_24 : vector<1x10016xi32>
    %not3A = arith.constant dense<-1> : vector<1x10016xi32>
    %not3A_26 = arith.xori %bitcast_convert_type3A, %not3A : vector<1x10016xi32>
    %bitcast_convert_type3A_27 = tpu.bitcast %not3A_26 : vector<1x10016xi32> -> vector<1x10016xi32>
    %bitcast_convert_type3A_28 = tpu.bitcast %bitcast_convert_type3A : vector<1x10016xi32> -> vector<1x10016xi32>
    %or3A = arith.constant -2147483648 : i32
    %or3A_29 = vector.broadcast %or3A : i32 to vector<1x10016xi32>
    %or3A_30 = arith.ori %bitcast_convert_type3A_28, %or3A_29 : vector<1x10016xi32>
    %select_n3A_31 = arith.select %lt3A_25, %bitcast_convert_type3A_27, %or3A_30 : vector<1x10016xi1>, vector<1x10016xi32>
    %jit3A_32 = arith.constant 0 : i32
    %broadcast_in_dim3A_33 = vector.broadcast %jit3A_32 : i32 to vector<1x10016xi32>
    %select_n3A_34 = arith.select %lt3A_1, %select_n3A_31, %broadcast_in_dim3A_33 : vector<1x10016xi1>, vector<1x10016xi32>
    %scan3A = arith.constant 0 : i32
    %scan3A_35 = arith.constant 0 : i32
    %scan3A_36 = arith.constant 0 : i32
    %scan3A_37 = arith.constant 32 : i32
    %scan3A_38 = arith.addi %scan3A_36, %scan3A_37 : i32
    %scan3A_39 = arith.constant 1 : i32
    %scan3A_40:2 = scf.for %scan3A_65 = %scan3A_36 to %scan3A_38 step %scan3A_39 iter_args(%scan3A_66 = %scan3A, %scan3A_67 = %scan3A_35) -> (i32, i32)  : i32 {
      %sub3A_68 = arith.constant 31 : i32
      %sub3A_69 = arith.subi %sub3A_68, %scan3A_65 : i32
      %shift_left3A = arith.constant 1 : i32
      %shift_left3A_70 = arith.shli %shift_left3A, %sub3A_69 : i32
      %or3A_71 = arith.ori %scan3A_66, %shift_left3A_70 : i32
      %or3A_72 = arith.ori %scan3A_67, %shift_left3A_70 : i32
      %ge3A_73 = vector.broadcast %or3A_71 : i32 to vector<1x10016xi32>
      %ge3A_74 = arith.cmpi uge, %select_n3A_34, %ge3A_73 : vector<1x10016xi32>
      %convert_element_type3A_75 = arith.extui %ge3A_74 : vector<1x10016xi1> to vector<1x10016xi32>
      %reduce_sum3A_76 = vector.shape_cast %convert_element_type3A_75 : vector<1x10016xi32> to vector<1x1x10016xi32>
      %reduce_sum3A_77 = arith.constant dense<0> : vector<1xi32>
      %reduce_sum3A_78 = vector.multi_reduction <add>, %reduce_sum3A_76, %reduce_sum3A_77 [1, 2] : vector<1x1x10016xi32> to vector<1xi32>
      %reduce_sum3A_79 = vector.shape_cast %reduce_sum3A_78 : vector<1xi32> to vector<1x1x1xi32>
      %reduce_sum3A_80 = vector.extract %reduce_sum3A_79[0, 0, 0] : i32 from vector<1x1x1xi32>
      %ge3A_81 = vector.broadcast %or3A_72 : i32 to vector<1x10016xi32>
      %ge3A_82 = arith.cmpi uge, %select_n3A_34, %ge3A_81 : vector<1x10016xi32>
      %convert_element_type3A_83 = arith.extui %ge3A_82 : vector<1x10016xi1> to vector<1x10016xi32>
      %reduce_sum3A_84 = vector.shape_cast %convert_element_type3A_83 : vector<1x10016xi32> to vector<1x1x10016xi32>
      %reduce_sum3A_85 = arith.constant dense<0> : vector<1xi32>
      %reduce_sum3A_86 = vector.multi_reduction <add>, %reduce_sum3A_84, %reduce_sum3A_85 [1, 2] : vector<1x1x10016xi32> to vector<1xi32>
      %reduce_sum3A_87 = vector.shape_cast %reduce_sum3A_86 : vector<1xi32> to vector<1x1x1xi32>
      %reduce_sum3A_88 = vector.extract %reduce_sum3A_87[0, 0, 0] : i32 from vector<1x1x1xi32>
      %ge3A_89 = arith.constant 1500 : i32
      %ge3A_90 = arith.cmpi sge, %reduce_sum3A_80, %ge3A_89 : i32
      %select_n3A_91 = arith.select %ge3A_90, %or3A_71, %scan3A_66 : i32
      %ge3A_92 = arith.constant 150 : i32
      %ge3A_93 = arith.cmpi sge, %reduce_sum3A_88, %ge3A_92 : i32
      %select_n3A_94 = arith.select %ge3A_93, %or3A_72, %scan3A_67 : i32
      scf.yield %select_n3A_91, %select_n3A_94 : i32, i32
    }
    %scan3A_41 = arith.constant 32 : i32
    %ge3A = vector.broadcast %scan3A_40#0 : i32 to vector<1x10016xi32>
    %ge3A_42 = arith.cmpi uge, %select_n3A_34, %ge3A : vector<1x10016xi32>
    %slice3A = vector.extract_strided_slice %ge3A_42 {offsets = [0, 0], sizes = [1, 10000], strides = [1, 1]} : vector<1x10016xi1> to vector<1x10000xi1>
    %swap3A = arith.constant 0 : index
    %swap3A_43 = arith.constant 0 : index
    %swap3A_44 = vector.load %arg2[%swap3A, %swap3A_43] : memref<1x10000xi32, #tpu.memory_space<vmem>>, vector<1x10000xi32>
    %swap3A_45 = arith.extui %slice3A : vector<1x10000xi1> to vector<1x10000xi32>
    %swap3A_46 = arith.constant dense<0> : vector<1x10000xi32>
    %swap3A_47 = arith.cmpi ne, %swap3A_44, %swap3A_46 : vector<1x10000xi32>
    tpu.vector_store %arg2[%swap3A, %swap3A_43], %swap3A_45 {strides = array<i32>} : memref<1x10000xi32, #tpu.memory_space<vmem>>, vector<1x10000xi32>,
    %xor3A = arith.constant -2147483648 : i32
    %xor3A_48 = vector.broadcast %xor3A : i32 to vector<1x10016xi32>
    %xor3A_49 = arith.xori %select_n3A_34, %xor3A_48 : vector<1x10016xi32>
    %bitcast_convert_type3A_50 = tpu.bitcast %xor3A_49 : vector<1x10016xi32> -> vector<1x10016xi32>
    %swap3A_51 = arith.constant 0 : index
    %swap3A_52 = arith.constant 0 : index
    %swap3A_53 = vector.load %arg3[%swap3A_51, %swap3A_52] : memref<1x10016xi32, #tpu.memory_space<vmem>>, vector<1x10016xi32>
    tpu.vector_store %arg3[%swap3A_51, %swap3A_52], %bitcast_convert_type3A_50 {strides = array<i32>} : memref<1x10016xi32, #tpu.memory_space<vmem>>, vector<1x10016xi32>,
    %xor3A_54 = arith.constant -2147483648 : i32
    %xor3A_55 = arith.xori %scan3A_40#0, %xor3A_54 : i32
    %bitcast_convert_type3A_56 = arith.bitcast %xor3A_55 : i32 to i32
    %broadcast_in_dim3A_57 = vector.broadcast %bitcast_convert_type3A_56 : i32 to vector<1x16xi32>
    %xor3A_58 = arith.constant -2147483648 : i32
    %xor3A_59 = arith.xori %scan3A_40#1, %xor3A_58 : i32
    %bitcast_convert_type3A_60 = arith.bitcast %xor3A_59 : i32 to i32
    %broadcast_in_dim3A_61 = vector.broadcast %bitcast_convert_type3A_60 : i32 to vector<1x16xi32>
    %concatenate3A = tpu.concatenate %broadcast_in_dim3A_57, %broadcast_in_dim3A_61 in 1 : vector<1x16xi32>, vector<1x16xi32> -> vector<1x32xi32>
    %swap3A_62 = arith.constant 0 : index
    %swap3A_63 = arith.constant 0 : index
    %swap3A_64 = vector.load %arg4[%swap3A_62, %swap3A_63] : memref<1x32xi32, #tpu.memory_space<vmem>>, vector<1x32xi32>
    tpu.vector_store %arg4[%swap3A_62, %swap3A_63], %concatenate3A {strides = array<i32>} : memref<1x32xi32, #tpu.memory_space<vmem>>, vector<1x32xi32>,
    return
  }
}

</mosaic_0001>

<sc_bundles>
// kernel: kernel.5.cloned.1.call-start
scs
__scs_entry_jumppad:
0x0: {  	(pc) =	sbr.rel $0x88, $3  }
0x1: {  	(tag) =	ssettag $0x0;
	lr =	simm.s32 $0x1  }
0x2: {  	[smem:$0x3F9F] =	sst lr;
	_ =	strace $0xD0000000  }
0x3: {  	_ = 	snop  }
0x4: {  	_ = 	snop  }
0x5: {  	_ = 	snop  }
0x6: {  	_ = 	snop  }
0x7: {  	_ = 	snop  }
__scs_overlays_trampoline_lowered:
0x8: {  	[smem:$0x3FAE] =	sst s0  }
0x9: {  	[smem:$0x3FAF] =	sst s1  }
0xa: {  	[smem:$0x3FB0] =	sst s2  }
0xb: {  	[smem:$0x3FB1] =	sst s3  }
0xc: {  	[smem:$0x3FB2] =	sst s4  }
0xd: {  	[smem:$0x3FB3] =	sst s5  }
0xe: {  	[smem:$0x3FB4] =	sst s6  }
0xf: {  	[smem:$0x3FB5] =	sst s7  }
0x10: {  	[smem:$0x3FB6] =	sst s8  }
0x11: {  	[smem:$0x3FB7] =	sst s9;
	s0 =	simm.s32 @!p0 $0x0  }
0x12: {  	s1 =	sld [smem:$0x3F9D];
	s0 =	simm.s32 @p0 $0x1  }
0x13: {  	[smem:$0x3FB8] =	sst s0;
	s0 =	simm.s32 @!p1 $0x0  }
0x14: {  	s2 =	sld [smem:$0x3F9C];
	s0 =	simm.s32 @p1 $0x1  }
0x15: {  	[smem:$0x3FB9] =	sst s0;
	s0 =	simm.s32 @!p2 $0x0  }
0x16: {  	s3 =	sld [smem:$0x3FDB];
	s0 =	simm.s32 @p2 $0x1  }
0x17: {  	s4 =	simm.s32 $0x1BF5;
	[smem:$0x3FBB] =	sst s0  }
0x18: {  	s0 =	sld [smem:$0x3F9E];
	_ =	swait.ge [sflag:s4], $0x0  }
0x19: {  	s7 =	sld [smem:$0x3F9F]  }
0x1a: {  	s8 =	sadd.s32 $0xFFFFE003, lr  }
0x1b: {  	s9 =	sadd.s32 $0xFFFFFEF7, lr;
	s5 =	simm.s32 $0xFFFFFFFF;
	p2 =	slt.u32 s8, $0xFFFFF086  }
0x1c: {  	p1 =	slt.u32 s9, $0xF7A;
	s5 =	simm.s32 @!p2 $0x0  }
0x1d: {  	s5 =	simm.s32 @p1 $0x1;
	p0 =	seq.s32 s7, s2  }
0x1e: {  	s7 =	smul.u32 @!p0 $0xF7A, s2;
	p2 =	seq.s32 @!p0 s5, $0x0  }
0x1f: {  	s9 =	smul.u32 $0xF7A, s1;
	s8 =	simm.s32 @!p0 $0x1BF5;
	p2 =	por !p2, p0  }
0x20: {  	[sflag:s8] =	ssyncset.s32 @!p0 $0xFFFFF086;
	s6 =	sadd.s32 @!p0 s3, s7;
	s7 =	simm.s32 @!p0 $0x108  }
0x21: {  	s3 =	sadd.s32 s3, s9;
	s6 =	sadd.s32 @!p0 $0x88, s6;
	s7 =	simm.s32 @p2 $0x1082  }
0x22: {  	[simem:s7], [sflag:s8] =	dma.local @!p0 [hbm:s6], $0xF7A  }
0x23: {  	s9 =	sor.u32 $0xD0000000, s2;
	s6 =	simm.s32 $0x108;
	_ =	swait.ge @!p0 [sflag:s8], $0x0  }
0x24: {  	s3 =	sadd.s32 $0x88, s3;
	s6 =	simm.s32 @!p1 $0x1082;
	[sflag:s4] =	ssyncset.s32 $0xFFFFF086  }
0x25: {  	[simem:s6], [sflag:s4] =	dma.local [hbm:s3], $0xF7A  }
0x26: {  	[smem:$0x3F9F] =	sst s1;
	(tag) =	ssettag s2;
	_ =	strace s9  }
0x27: {  	s1 =	sld [smem:$0x3FAF]  }
0x28: {  	s2 =	sld [smem:$0x3FB0]  }
0x29: {  	s4 =	sld [smem:$0x3FB2]  }
0x2a: {  	p0 =	seq.s32 s5, $0x0;
	s5 =	sld [smem:$0x3FB3]  }
0x2b: {  	s6 =	sld [smem:$0x3FB4]  }
0x2c: {  	s7 =	sld [smem:$0x3FB5]  }
0x2d: {  	s3 =	simm.s32 $0x108;
	s8 =	sld [smem:$0x3FB6]  }
0x2e: {  	s3 =	simm.s32 @!p0 $0x1082;
	s9 =	sld [smem:$0x3FB7]  }
0x2f: {  	lr =	sadd.s32 s0, s3;
	s0 =	sld [smem:$0x3FAE]  }
0x30: {  	s3 =	sld [smem:$0x3FB1]  }
0x31: {  	[smem:$0x3FBA] =	sst s10  }
0x32: {  	s10 =	sld [smem:$0x3FB8];
	_ =	sdelay $0x3  }
0x33: {  	p0 =	seq.s32 s10, $0x1;
	s10 =	sld [smem:$0x3FBA];
	_ =	sdelay $0x3  }
0x34: {  	[smem:$0x3FBA] =	sst s10  }
0x35: {  	s10 =	sld [smem:$0x3FB9];
	_ =	sdelay $0x3  }
0x36: {  	p1 =	seq.s32 s10, $0x1;
	s10 =	sld [smem:$0x3FBA];
	_ =	sdelay $0x3  }
0x37: {  	[smem:$0x3FBA] =	sst s10  }
0x38: {  	s10 =	sld [smem:$0x3FBB]  }
0x39: {  	_ = 	snop;
	(pc) =	sbr.ind lr, $3  }
0x3a: {  	_ = 	snop  }
0x3b: {  	_ = 	snop  }
0x3c: {  	p2 =	seq.s32 s10, $0x1;
	s10 =	sld [smem:$0x3FBA]  }
0x3d: {  	_ =	shalt  }
0x3e: {  	_ =	shalt  }
0x3f: {  	_ =	shalt  }
0x40: {  	_ =	shalt  }
0x41: {  	_ =	shalt  }
0x42: {  	_ =	shalt  }
0x43: {  	_ =	shalt  }
0x44: {  	_ =	shalt  }
0x45: {  	_ =	shalt  }
0x46: {  	_ =	shalt  }
0x47: {  	_ =	shalt  }
0x48: {  	_ =	shalt  }
0x49: {  	_ =	shalt  }
0x4a: {  	_ =	shalt  }
0x4b: {  	_ =	shalt  }
0x4c: {  	_ =	shalt  }
0x4d: {  	_ =	shalt  }
0x4e: {  	_ =	shalt  }
0x4f: {  	_ =	shalt  }
0x50: {  	_ =	shalt  }
0x51: {  	_ =	shalt  }
0x52: {  	_ =	shalt  }
0x53: {  	_ =	shalt  }
0x54: {  	_ =	shalt  }
0x55: {  	_ =	shalt  }
0x56: {  	_ =	shalt  }
0x57: {  	_ =	shalt  }
0x58: {  	_ =	shalt  }
0x59: {  	_ =	shalt  }
0x5a: {  	_ =	shalt  }
0x5b: {  	_ =	shalt  }
0x5c: {  	_ =	shalt  }
0x5d: {  	_ =	shalt  }
0x5e: {  	_ =	shalt  }
0x5f: {  	_ =	shalt  }
0x60: {  	_ =	shalt  }
0x61: {  	_ =	shalt  }
0x62: {  	_ =	shalt  }
0x63: {  	_ =	shalt  }
0x64: {  	_ =	shalt  }
0x65: {  	_ =	shalt  }
0x66: {  	_ =	shalt  }
0x67: {  	_ =	shalt  }
0x68: {  	_ =	shalt  }
0x69: {  	_ =	shalt  }
0x6a: {  	_ =	shalt  }
0x6b: {  	_ =	shalt  }
0x6c: {  	_ =	shalt  }
0x6d: {  	_ =	shalt  }
0x6e: {  	_ =	shalt  }
0x6f: {  	_ =	shalt  }
0x70: {  	_ =	shalt  }
0x71: {  	_ =	shalt  }
0x72: {  	_ =	shalt  }
0x73: {  	_ =	shalt  }
0x74: {  	_ =	shalt  }
0x75: {  	_ =	shalt  }
0x76: {  	_ =	shalt  }
0x77: {  	_ =	shalt  }
0x78: {  	_ =	shalt  }
0x79: {  	_ =	shalt  }
0x7a: {  	_ =	shalt  }
0x7b: {  	_ =	shalt  }
0x7c: {  	_ =	shalt  }
0x7d: {  	_ =	shalt  }
0x7e: {  	_ =	shalt  }
0x7f: {  	_ =	shalt  }
0x80: {  	_ =	shalt  }
0x81: {  	_ =	shalt  }
0x82: {  	_ =	shalt  }
0x83: {  	_ =	shalt  }
0x84: {  	_ =	shalt  }
0x85: {  	_ =	shalt  }
0x86: {  	_ =	shalt  }
0x87: {  	_ =	shalt  }
.Lfunc_end0:
.L_simem_size_0:
called_computation_lowered:
.L_overlay_start_0:
0x88: {  	s2 =	sld [smem:$0x3FD9]  }
0x89: {  	s3 =	sld [smem:$0x3FFE];
	_ =	sdelay $0x1  }
0x8a: {  	s1 =	srdreg.scid  }
0x8b: {  	s0 =	sand.u32 $0x1, s1  }
0x8c: {  	s14 =	sshll.u32 s0, $0xA;
	s2 =	sadd.s32 s3, s2  }
0x8d: {  	s2 =	sadd.s32 s2, s14  }
0x8e: {  	[smem:$0x3FC6] =	sst s2  }
0x8f: {  	_ = 	snop  }
0x90: {  	s2 =	sld [smem:$0x3FD0];
	_ =	sdelay $0x2  }
0x91: {  	s15 =	simm.s32 $0xA;
	s4 =	simm.s32 $0x10  }
0x92: {  	[smem:s4], [sflag:s15] =	dma.local [hbm:s2], $0x1  }
0x93: {  	_ =	swait.eq [sflag:s15], $0x1  }
0x94: {  	[sflag:s15] =	ssyncset.done $0x0  }
0x95: {  	[sflag:s15] =	ssyncadd.s32 $0xFFFFFFFF  }
0x96: {  	s16 =	sld [smem:$0x10];
	(tm) =	ssettm $0x1  }
0x97: {  	s17 =	sld [smem:$0x3FFB];
	_ =	sdelay $0x3  }
0x98: {  	_ =	strace s17  }
0x99: {  	s3 =	sld [smem:$0x3FFC];
	_ =	sdelay $0x3  }
0x9a: {  	_ =	strace s3  }
0x9b: {  	s3 =	sld [smem:$0x3FFD];
	_ =	sdelay $0x3  }
0x9c: {  	_ =	strace s3  }
0x9d: {  	_ =	strace $0x8FFFFFFF  }
0x9e: {  	s18 =	sld [smem:$0x3FDB];
	_ =	sdelay $0x1  }
0x9f: {  	s19 =	simm.s32 $_scs_section_size  }
0xa0: {  	s5 =	simm.s32 $_size__tile_overlayer_lowered;
	s6 =	simm.s32 $_tile_overlayer_lowered  }
0xa1: {  	s22 =	simm.s32 $0x1BFF;
	s21 =	sshll.u32 s6, $0x1;
	s3 =	sadd.s32 s19, s18  }
0xa2: {  	s7 =	simm.s32 $0x0;
	s20 =	sshll.u32 s5, $0x1;
	s5 =	sadd.s32 s21, s3  }
0xa3: {  	[timem:s7], [sflag:s22] =	dma.local [hbm:s5], s20  }
0xa4: {  	_ =	swait.ge [sflag:s22], s20  }
0xa5: {  	s4 =	ssub.s32 $0x0, s20;
	[sflag:s22] =	ssyncset.done $0x0  }
0xa6: {  	[sflag:s22] =	ssyncadd.s32 s4;
	_ =	sdelay $0x1  }
0xa7: {  	s23 =	simm.s32 $0x1B8B  }
0xa8: {  	_ =	swait.ge [sflag:s23], $0x1  }
0xa9: {  	[sflag:s23] =	ssyncset.done $0x0  }
0xaa: {  	s25 =	simm.s32 $0x1B8E;
	s24 =	sld [smem:$0x3FFE];
	[sflag:s23] =	ssyncadd.s32 $0xFFFFFFFF  }
0xab: {  	s26 =	simm.s32 $execute0_lowered;
	[smem:$0x3FD2] =	sst s25  }
0xac: {  	s5 =	sshll.u32 s26, $0x1;
	_ =	strace $0x80000046;
	[dreg:$0x1] =	wrdreg $0xFFFFFFFF  }
0xad: {  	s28 =	simm.s32 $_size_execute0_lowered;
	s3 =	sadd.s32 s3, s5;
	[dreg:$0x0] =	wrdreg $0x0  }
0xae: {  	s5 =	sshll.u32 s28, $0x1;
	[dreg:$0x2] =	wrdreg s3  }
0xaf: {  	[dreg:$0x3] =	wrdreg s5  }
0xb0: {  	[dreg:$0x4] =	wrdreg $0xC0  }
0xb1: {  	_ =	task [dreg:s7], $0x5FFFF  }
0xb2: {  	[dreg:$0x1] =	wrdreg $0xFFFFFFFF  }
0xb3: {  	[dreg:$0x0] =	wrdreg $0x60  }
0xb4: {  	[dreg:$0x2] =	wrdreg s16  }
0xb5: {  	[dreg:$0x3] =	wrdreg s24  }
0xb6: {  	[dreg:$0x4] =	wrdreg $0x9  }
0xb7: {  	_ =	task.clear_ibuf [dreg:s7], $0x5FFFF;
	_ =	strace $0x90000046  }
0xb8: {  	s29 =	simm.s32 $0x9;
	_ =	strace $0x80000048  }
0xb9: {  	_ =	swait.ge [sflag:s29], $0x1  }
0xba: {  	[sflag:s29] =	ssyncadd.s32 $0xFFFFFFFF  }
0xbb: {  	_ =	strace $0x90000048  }
0xbc: {  	_ =	sfence  }
0xbd: {  	s30 =	sld [smem:$0x0];
	_ =	sdelay $0x2  }
0xbe: {  	s31 =	sshll.u32 s1, $0xD;
	s1 =	sshrl.u32 s1, $0x2  }
0xbf: {  	s3 =	sand.u32 $0x4000, s31;
	s1 =	sadd.s32 s1, s30  }
0xc0: {  	s0 =	sor.u32 s3, s0;
	s1 =	sshll.u32 s1, $0x11  }
0xc1: {  	s0 =	sor.u32 s1, s0  }
0xc2: {  	s0 =	sadd.s32 $0x8F2B, s0  }
0xc3: {  	[sflag:s0] =	ssyncadd.remote.s32 $0x1  }
0xc4: {  	_ =	sfence.sel $0xFFFF  }
0xc5: {  	[dreg:$0x0] =	wrdreg $0xFFFFFFFF;
	(pc) =	sbr.abs _section_cstart, $3  }
0xc6: {  	[dreg:$0x1] =	wrdreg $0xFFFFFFFF  }
0xc7: {  	_ =	task.clear_ibuf [dreg:s7], $0x2FFFF;
	_ =	strace $0x9FFFFFFF  }
0xc8: {  	(tm) =	ssettm $0x7FFFFFFF  }
0xc9: {  	_ =	shalt  }
tec
execute0_lowered:
.L_overlay_start_1:
0x0: {  	(tag) =	ssettag $0x1  }
0x1: {  	s3 =	rddreg [dreg:$0x0]  }
0x2: {  	s1 =	srdreg.scid;
	s0 =	stileid.u32  }
0x3: {  	s4 =	rddreg [dreg:$0x1];
	s5 =	sand.u32 $0x1, s1;
	s2 =	sshll.u32 s0, $0x1  }
0x4: {  	s1 =	rddreg [dreg:$0x2];
	s6 =	sor.u32 s5, s2  }
0x5: {  	s2 =	simm.s32 $0x0;
	s5 =	ssub.s32 $0x2, s5;
	s7 =	smul.u32 $0x4F0, s6  }
0x6: {  	[smem:$0x7FF] =	sst s2;
	s8 =	sshrl.u32 s5, $0x1;
	s6 =	smul.u32 $0x9C4, s6  }
0x7: {  	_ =	strace $0x80000047;
	s5 =	ssub.s32 s5, s8;
	s8 =	simm.s32 $0x0  }
0x8: {  	s4 =	sadd.s32 s7, s4;
	s3 =	sadd.s32 s3, s6;
	s5 =	smax.u32 s5, $0x1  }
0x9: {  	v0 =	vimm.s32 $0x0;
	v1 =	vimm.s32 $0x1;
	s6 =	simm.s32 $0x1;
	s7 =	simm.s32 $0x4E80;
	s4 =	sadd.s32 $0xA00, s4  }
.LBB2_1:
0xa: {  	[tilespmem:s2], [sflag:$0x1] =	stream.linear.gather [hbm4b:s3+s2], $0x4E20, $0x38;
	[tilespmem:$0x7600] =	vst v63  }
0xb: {  	_ =	swait.ge [sflag:s6], $0x4E20  }
0xc: {  	[sflag:s6] =	ssyncset.done $0x0  }
0xd: {  	s9 =	simm.s32 $0x4EC0;
	[sflag:s6] =	ssyncadd.s32 $0xFFFFB1E0  }
0xe: {  	[tilespmem:s9+$0xFFFFFFC0] =	vst v0  }
0xf: {  	[tilespmem:s9+$0x30] =	vst v0  }
0x10: {  	[tilespmem:s9+$0x20] =	vst v0  }
0x11: {  	[tilespmem:s9+$0x10] =	vst v0  }
0x12: {  	[tilespmem:s9+$0x0] =	vst v0  }
0x13: {  	[tilespmem:s9+$0xFFFFFFF0] =	vst v0  }
0x14: {  	s10 =	simm.s32 $0x0;
	[tilespmem:s9+$0xFFFFFFE0] =	vst v0  }
.LBB2_2:
0x15: {  	s10 =	sadd.s32 $0x8, s10;
	[tilespmem:s9+$0xFFFFFFD0] =	vst v0;
	s9 =	sadd.s32 $0x80, s9  }
0x16: {  	[tilespmem:s9+$0xFFFFFFC0] =	vst v0;
	p0 =	slt.u32 s10, $0x268  }
0x17: {  	[tilespmem:s9+$0x30] =	vst v0  }
.Ltmp0:
0x18: {  	[tilespmem:s9+$0x20] =	vst v0;
	(pc) =	sbr.rel @p0 .LBB2_2-.Ltmp0, $4  }
0x19: {  	[tilespmem:s9+$0x10] =	vst v0  }
0x1a: {  	[tilespmem:s9+$0x0] =	vst v0  }
0x1b: {  	[tilespmem:s9+$0xFFFFFFF0] =	vst v0  }
0x1c: {  	[tilespmem:s9+$0xFFFFFFE0] =	vst v0  }
0x1d: {  	[tilespmem:s9+$0xFFFFFFD0] =	vst v0;
	s9 =	simm.s32 $0x0  }
.LBB2_4:
0x1e: {  	p0 =	sne.s32 s9, $0x40  }
.Ltmp1:
0x1f: {  	_ = 	snop;
	(pc) =	sbr.rel @p0 .LBB2_4-.Ltmp1, $3  }
0x20: {  	_ =	sdelay $0x1  }
0x21: {  	s10 =	sshra.s32 s9, $0x2  }
0x22: {  	s9 =	sadd.s32 $0x40, s9;
	[tilespmem:s10+$0x7580] =	vst v0  }
0x23: {  	s9 =	simm.s32 $0x40  }
0x24: {  	v3 =	vld [tilespmem:s9+$0xFFFFFFC0]  }
0x25: {  	v4 =	vld [tilespmem:s9+$0x30]  }
0x26: {  	v5 =	vld [tilespmem:s9+$0x20]  }
0x27: {  	v6 =	vld [tilespmem:s9+$0x10]  }
0x28: {  	v7 =	vld [tilespmem:s9+$0x0]  }
0x29: {  	v8 =	vld [tilespmem:s9+$0xFFFFFFF0]  }
0x2a: {  	v9 =	vld [tilespmem:s9+$0xFFFFFFE0]  }
0x2b: {  	v2 =	vld [tilespmem:s9+$0xFFFFFFD0]  }
0x2c: {  	[tilespmem:v3+s7+$0x0] =	vst.idx.add.s32.msk $0xffff, v1  }
0x2d: {  	[tilespmem:v4+s7+$0x0] =	vst.idx.add.s32.msk $0xffff, v1  }
0x2e: {  	[tilespmem:v5+s7+$0x0] =	vst.idx.add.s32.msk $0xffff, v1  }
0x2f: {  	[tilespmem:v6+s7+$0x0] =	vst.idx.add.s32.msk $0xffff, v1  }
0x30: {  	[tilespmem:v7+s7+$0x0] =	vst.idx.add.s32.msk $0xffff, v1  }
0x31: {  	[tilespmem:v8+s7+$0x0] =	vst.idx.add.s32.msk $0xffff, v1  }
0x32: {  	s10 =	simm.s32 $0x0;
	[tilespmem:v9+s7+$0x0] =	vst.idx.add.s32.msk $0xffff, v1  }
.LBB2_6:
0x33: {  	s10 =	sadd.s32 $0x8, s10;
	[tilespmem:v2+s7+$0x0] =	vst.idx.add.s32.msk $0xffff, v1;
	s9 =	sadd.s32 $0x80, s9  }
0x34: {  	v3 =	vld [tilespmem:s9+$0xFFFFFFC0];
	p0 =	slt.u32 s10, $0x4D8  }
0x35: {  	v4 =	vld [tilespmem:s9+$0x30]  }
0x36: {  	v5 =	vld [tilespmem:s9+$0x20]  }
0x37: {  	v6 =	vld [tilespmem:s9+$0x10]  }
0x38: {  	v7 =	vld [tilespmem:s9+$0x0]  }
0x39: {  	v8 =	vld [tilespmem:s9+$0xFFFFFFF0]  }
0x3a: {  	v9 =	vld [tilespmem:s9+$0xFFFFFFE0]  }
0x3b: {  	v2 =	vld [tilespmem:s9+$0xFFFFFFD0]  }
0x3c: {  	[tilespmem:v3+s7+$0x0] =	vst.idx.add.s32.msk $0xffff, v1  }
0x3d: {  	[tilespmem:v4+s7+$0x0] =	vst.idx.add.s32.msk $0xffff, v1  }
.Ltmp2:
0x3e: {  	[tilespmem:v5+s7+$0x0] =	vst.idx.add.s32.msk $0xffff, v1;
	(pc) =	sbr.rel @p0 .LBB2_6-.Ltmp2, $4  }
0x3f: {  	[tilespmem:v6+s7+$0x0] =	vst.idx.add.s32.msk $0xffff, v1  }
0x40: {  	[tilespmem:v7+s7+$0x0] =	vst.idx.add.s32.msk $0xffff, v1  }
0x41: {  	[tilespmem:v8+s7+$0x0] =	vst.idx.add.s32.msk $0xffff, v1  }
0x42: {  	[tilespmem:v9+s7+$0x0] =	vst.idx.add.s32.msk $0xffff, v1  }
0x43: {  	_ =	sdelay $0x3  }
0x44: {  	[tilespmem:v2+s7+$0x0] =	vst.idx.add.s32.msk $0xffff, v1;
	s9 =	simm.s32 $0x0  }
.LBB2_8:
0x45: {  	s10 =	sshra.s32 s9, $0x2  }
0x46: {  	v2 =	vld [tilespmem:s10+$0x4E00];
	_ =	sdelay $0x2  }
0x47: {  	p0 =	sne.s32 s9, $0x40  }
.Ltmp3:
0x48: {  	_ = 	snop;
	(pc) =	sbr.rel @p0 .LBB2_8-.Ltmp3, $2  }
0x49: {  	_ =	sdelay $0x2  }
0x4a: {  	s9 =	sadd.s32 $0x40, s9;
	[tilespmem:v2+s7+$0x0] =	vst.idx.add.s32.msk $0xffff, v1  }
0x4b: {  	s8 =	sadd.s32 $0x1, s8  }
0x4c: {  	p0 =	sne.s32 s8, s5  }
.Ltmp4:
0x4d: {  	_ = 	snop;
	(pc) =	sbr.rel @p0 .LBB2_1-.Ltmp4, $4  }
0x4e: {  	[hbm4b:s4+s2] =	stream.linear.scatter [tilespmem:s7], [sflag:$0x1], $0x2780, $0x38;
	[tilespmem:$0x7600] =	vst v63  }
0x4f: {  	_ =	swait.ge [sflag:s6], $0x2780  }
0x50: {  	[sflag:s6] =	ssyncset.done $0x0  }
0x51: {  	[sflag:s6] =	ssyncadd.s32 $0xFFFFD880  }
0x52: {  	_ =	sfence.sel $0x180000  }
0x53: {  	[bflag:$0x0] =	sbarrier.arrive $0xFFFF  }
0x54: {  	p0 =	sne.s32 s0, $0x0;
	_ =	strace $0x90000047  }
0x55: {  	s0 =	sadd.s32 @!p0 $0x100000, s1;
	[bflag:$0x2] =	sbarrier.arrive $0xFFFF  }
0x56: {  	[sflag:s0] =	ssyncadd.tile.s32 @!p0 $0x1;
	_ =	shalt  }
.Lfunc_end2:
_tile_overlayer_lowered:
.L_overlay_start_2:
0x57: {  	(tag) =	ssettag $0x2  }
0x58: {  	s0 =	rddreg [dreg:$0x0];
	s2 =	stileid.u32  }
0x59: {  	s1 =	rddreg [dreg:$0x1];
	p0 =	sne.s32 s2, $0x0  }
0x5a: {  	s3 =	rddreg [dreg:$0x2];
	[bflag:$0x3] =	sbarrier.arrive $0xFFFF;
	s2 =	simm.s32 @!p0 $0x1C01  }
0x5b: {  	[timem:s3], [sflag:s2] =	dma.local @!p0 [hbm:s0], s1  }
0x5c: {  	s0 =	simm.s32 @!p0 $0x1  }
0x5d: {  	_ =	swait.ge @!p0 [sflag:s0], s1  }
0x5e: {  	s1 =	ssub.s32 @!p0 $0x0, s1;
	[sflag:s0] =	ssyncset.done @!p0 $0x0  }
0x5f: {  	[sflag:s0] =	ssyncadd.s32 @!p0 s1  }
0x60: {  	[bflag:$0x3] =	sbarrier.arrive $0xFFFF  }
0x61: {  	_ =	shalt  }

// kernel: kernel.8.cloned.1.call-start
scs
__scs_entry_jumppad:
0x0: {  	(pc) =	sbr.rel $0x88, $3  }
0x1: {  	(tag) =	ssettag $0x0;
	lr =	simm.s32 $0x1  }
0x2: {  	[smem:$0x3F9F] =	sst lr;
	_ =	strace $0xD0000000  }
0x3: {  	_ = 	snop  }
0x4: {  	_ = 	snop  }
0x5: {  	_ = 	snop  }
0x6: {  	_ = 	snop  }
0x7: {  	_ = 	snop  }
__scs_overlays_trampoline_lowered:
0x8: {  	[smem:$0x3FAE] =	sst s0  }
0x9: {  	[smem:$0x3FAF] =	sst s1  }
0xa: {  	[smem:$0x3FB0] =	sst s2  }
0xb: {  	[smem:$0x3FB1] =	sst s3  }
0xc: {  	[smem:$0x3FB2] =	sst s4  }
0xd: {  	[smem:$0x3FB3] =	sst s5  }
0xe: {  	[smem:$0x3FB4] =	sst s6  }
0xf: {  	[smem:$0x3FB5] =	sst s7  }
0x10: {  	[smem:$0x3FB6] =	sst s8  }
0x11: {  	[smem:$0x3FB7] =	sst s9;
	s0 =	simm.s32 @!p0 $0x0  }
0x12: {  	s1 =	sld [smem:$0x3F9D];
	s0 =	simm.s32 @p0 $0x1  }
0x13: {  	[smem:$0x3FB8] =	sst s0;
	s0 =	simm.s32 @!p1 $0x0  }
0x14: {  	s2 =	sld [smem:$0x3F9C];
	s0 =	simm.s32 @p1 $0x1  }
0x15: {  	[smem:$0x3FB9] =	sst s0;
	s0 =	simm.s32 @!p2 $0x0  }
0x16: {  	s3 =	sld [smem:$0x3FDB];
	s0 =	simm.s32 @p2 $0x1  }
0x17: {  	s4 =	simm.s32 $0x1BF5;
	[smem:$0x3FBB] =	sst s0  }
0x18: {  	s0 =	sld [smem:$0x3F9E];
	_ =	swait.ge [sflag:s4], $0x0  }
0x19: {  	s7 =	sld [smem:$0x3F9F]  }
0x1a: {  	s8 =	sadd.s32 $0xFFFFE003, lr  }
0x1b: {  	s9 =	sadd.s32 $0xFFFFFEF7, lr;
	s5 =	simm.s32 $0xFFFFFFFF;
	p2 =	slt.u32 s8, $0xFFFFF086  }
0x1c: {  	p1 =	slt.u32 s9, $0xF7A;
	s5 =	simm.s32 @!p2 $0x0  }
0x1d: {  	s5 =	simm.s32 @p1 $0x1;
	p0 =	seq.s32 s7, s2  }
0x1e: {  	s7 =	smul.u32 @!p0 $0xF7A, s2;
	p2 =	seq.s32 @!p0 s5, $0x0  }
0x1f: {  	s9 =	smul.u32 $0xF7A, s1;
	s8 =	simm.s32 @!p0 $0x1BF5;
	p2 =	por !p2, p0  }
0x20: {  	[sflag:s8] =	ssyncset.s32 @!p0 $0xFFFFF086;
	s6 =	sadd.s32 @!p0 s3, s7;
	s7 =	simm.s32 @!p0 $0x108  }
0x21: {  	s3 =	sadd.s32 s3, s9;
	s6 =	sadd.s32 @!p0 $0x88, s6;
	s7 =	simm.s32 @p2 $0x1082  }
0x22: {  	[simem:s7], [sflag:s8] =	dma.local @!p0 [hbm:s6], $0xF7A  }
0x23: {  	s9 =	sor.u32 $0xD0000000, s2;
	s6 =	simm.s32 $0x108;
	_ =	swait.ge @!p0 [sflag:s8], $0x0  }
0x24: {  	s3 =	sadd.s32 $0x88, s3;
	s6 =	simm.s32 @!p1 $0x1082;
	[sflag:s4] =	ssyncset.s32 $0xFFFFF086  }
0x25: {  	[simem:s6], [sflag:s4] =	dma.local [hbm:s3], $0xF7A  }
0x26: {  	[smem:$0x3F9F] =	sst s1;
	(tag) =	ssettag s2;
	_ =	strace s9  }
0x27: {  	s1 =	sld [smem:$0x3FAF]  }
0x28: {  	s2 =	sld [smem:$0x3FB0]  }
0x29: {  	s4 =	sld [smem:$0x3FB2]  }
0x2a: {  	p0 =	seq.s32 s5, $0x0;
	s5 =	sld [smem:$0x3FB3]  }
0x2b: {  	s6 =	sld [smem:$0x3FB4]  }
0x2c: {  	s7 =	sld [smem:$0x3FB5]  }
0x2d: {  	s3 =	simm.s32 $0x108;
	s8 =	sld [smem:$0x3FB6]  }
0x2e: {  	s3 =	simm.s32 @!p0 $0x1082;
	s9 =	sld [smem:$0x3FB7]  }
0x2f: {  	lr =	sadd.s32 s0, s3;
	s0 =	sld [smem:$0x3FAE]  }
0x30: {  	s3 =	sld [smem:$0x3FB1]  }
0x31: {  	[smem:$0x3FBA] =	sst s10  }
0x32: {  	s10 =	sld [smem:$0x3FB8];
	_ =	sdelay $0x3  }
0x33: {  	p0 =	seq.s32 s10, $0x1;
	s10 =	sld [smem:$0x3FBA];
	_ =	sdelay $0x3  }
0x34: {  	[smem:$0x3FBA] =	sst s10  }
0x35: {  	s10 =	sld [smem:$0x3FB9];
	_ =	sdelay $0x3  }
0x36: {  	p1 =	seq.s32 s10, $0x1;
	s10 =	sld [smem:$0x3FBA];
	_ =	sdelay $0x3  }
0x37: {  	[smem:$0x3FBA] =	sst s10  }
0x38: {  	s10 =	sld [smem:$0x3FBB]  }
0x39: {  	_ = 	snop;
	(pc) =	sbr.ind lr, $3  }
0x3a: {  	_ = 	snop  }
0x3b: {  	_ = 	snop  }
0x3c: {  	p2 =	seq.s32 s10, $0x1;
	s10 =	sld [smem:$0x3FBA]  }
0x3d: {  	_ =	shalt  }
0x3e: {  	_ =	shalt  }
0x3f: {  	_ =	shalt  }
0x40: {  	_ =	shalt  }
0x41: {  	_ =	shalt  }
0x42: {  	_ =	shalt  }
0x43: {  	_ =	shalt  }
0x44: {  	_ =	shalt  }
0x45: {  	_ =	shalt  }
0x46: {  	_ =	shalt  }
0x47: {  	_ =	shalt  }
0x48: {  	_ =	shalt  }
0x49: {  	_ =	shalt  }
0x4a: {  	_ =	shalt  }
0x4b: {  	_ =	shalt  }
0x4c: {  	_ =	shalt  }
0x4d: {  	_ =	shalt  }
0x4e: {  	_ =	shalt  }
0x4f: {  	_ =	shalt  }
0x50: {  	_ =	shalt  }
0x51: {  	_ =	shalt  }
0x52: {  	_ =	shalt  }
0x53: {  	_ =	shalt  }
0x54: {  	_ =	shalt  }
0x55: {  	_ =	shalt  }
0x56: {  	_ =	shalt  }
0x57: {  	_ =	shalt  }
0x58: {  	_ =	shalt  }
0x59: {  	_ =	shalt  }
0x5a: {  	_ =	shalt  }
0x5b: {  	_ =	shalt  }
0x5c: {  	_ =	shalt  }
0x5d: {  	_ =	shalt  }
0x5e: {  	_ =	shalt  }
0x5f: {  	_ =	shalt  }
0x60: {  	_ =	shalt  }
0x61: {  	_ =	shalt  }
0x62: {  	_ =	shalt  }
0x63: {  	_ =	shalt  }
0x64: {  	_ =	shalt  }
0x65: {  	_ =	shalt  }
0x66: {  	_ =	shalt  }
0x67: {  	_ =	shalt  }
0x68: {  	_ =	shalt  }
0x69: {  	_ =	shalt  }
0x6a: {  	_ =	shalt  }
0x6b: {  	_ =	shalt  }
0x6c: {  	_ =	shalt  }
0x6d: {  	_ =	shalt  }
0x6e: {  	_ =	shalt  }
0x6f: {  	_ =	shalt  }
0x70: {  	_ =	shalt  }
0x71: {  	_ =	shalt  }
0x72: {  	_ =	shalt  }
0x73: {  	_ =	shalt  }
0x74: {  	_ =	shalt  }
0x75: {  	_ =	shalt  }
0x76: {  	_ =	shalt  }
0x77: {  	_ =	shalt  }
0x78: {  	_ =	shalt  }
0x79: {  	_ =	shalt  }
0x7a: {  	_ =	shalt  }
0x7b: {  	_ =	shalt  }
0x7c: {  	_ =	shalt  }
0x7d: {  	_ =	shalt  }
0x7e: {  	_ =	shalt  }
0x7f: {  	_ =	shalt  }
0x80: {  	_ =	shalt  }
0x81: {  	_ =	shalt  }
0x82: {  	_ =	shalt  }
0x83: {  	_ =	shalt  }
0x84: {  	_ =	shalt  }
0x85: {  	_ =	shalt  }
0x86: {  	_ =	shalt  }
0x87: {  	_ =	shalt  }
.Lfunc_end0:
.L_simem_size_0:
called_computation.1_lowered:
.L_overlay_start_0:
0x88: {  	s2 =	sld [smem:$0x3FD9]  }
0x89: {  	s3 =	sld [smem:$0x3FFE];
	_ =	sdelay $0x1  }
0x8a: {  	s1 =	srdreg.scid  }
0x8b: {  	s0 =	sand.u32 $0x1, s1  }
0x8c: {  	s14 =	sshll.u32 s0, $0xA;
	s2 =	sadd.s32 s3, s2  }
0x8d: {  	s2 =	sadd.s32 s2, s14  }
0x8e: {  	[smem:$0x3FC6] =	sst s2  }
0x8f: {  	_ = 	snop  }
0x90: {  	s2 =	sld [smem:$0x3FD0];
	_ =	sdelay $0x2  }
0x91: {  	s4 =	simm.s32 $0xA;
	s5 =	simm.s32 $0x10;
	s15 =	sld [smem:$0x3FC9]  }
0x92: {  	[smem:s5], [sflag:s4] =	dma.local [hbm:s2], $0x1  }
0x93: {  	_ =	swait.eq [sflag:s4], $0x1  }
0x94: {  	[sflag:s4] =	ssyncset.done $0x0  }
0x95: {  	[sflag:s4] =	ssyncadd.s32 $0xFFFFFFFF  }
0x96: {  	s16 =	sld [smem:$0x10];
	(tm) =	ssettm $0x1  }
0x97: {  	s17 =	sld [smem:$0x3FFB];
	_ =	sdelay $0x3  }
0x98: {  	_ =	strace s17  }
0x99: {  	s4 =	sld [smem:$0x3FFC];
	_ =	sdelay $0x3  }
0x9a: {  	_ =	strace s4  }
0x9b: {  	s4 =	sld [smem:$0x3FFD];
	_ =	sdelay $0x3  }
0x9c: {  	_ =	strace s4  }
0x9d: {  	_ =	strace $0x8FFFFFFF  }
0x9e: {  	s18 =	sld [smem:$0x3FDB];
	_ =	sdelay $0x1  }
0x9f: {  	s19 =	simm.s32 $_scs_section_size  }
0xa0: {  	s6 =	simm.s32 $_size__tile_overlayer_lowered;
	s7 =	simm.s32 $_tile_overlayer_lowered  }
0xa1: {  	s22 =	simm.s32 $0x1BFF;
	s21 =	sshll.u32 s7, $0x1;
	s4 =	sadd.s32 s19, s18  }
0xa2: {  	s8 =	simm.s32 $0x0;
	s20 =	sshll.u32 s6, $0x1;
	s6 =	sadd.s32 s21, s4  }
0xa3: {  	[timem:s8], [sflag:s22] =	dma.local [hbm:s6], s20  }
0xa4: {  	_ =	swait.ge [sflag:s22], s20  }
0xa5: {  	s5 =	ssub.s32 $0x0, s20;
	[sflag:s22] =	ssyncset.done $0x0  }
0xa6: {  	[sflag:s22] =	ssyncadd.s32 s5;
	_ =	sdelay $0x1  }
0xa7: {  	s23 =	simm.s32 $0x1B8B  }
0xa8: {  	_ =	swait.ge [sflag:s23], $0x1  }
0xa9: {  	[sflag:s23] =	ssyncset.done $0x0  }
0xaa: {  	s25 =	simm.s32 $0x1B8E;
	s24 =	sld [smem:$0x3FFE];
	[sflag:s23] =	ssyncadd.s32 $0xFFFFFFFF  }
0xab: {  	s26 =	simm.s32 $execute0_lowered;
	[smem:$0x3FD2] =	sst s25  }
0xac: {  	s6 =	sshll.u32 s26, $0x1;
	_ =	strace $0x80000049;
	[dreg:$0x1] =	wrdreg $0xFFFFFFFF  }
0xad: {  	s28 =	simm.s32 $_size_execute0_lowered;
	s4 =	sadd.s32 s4, s6;
	[dreg:$0x0] =	wrdreg $0x0  }
0xae: {  	s6 =	sshll.u32 s28, $0x1;
	[dreg:$0x2] =	wrdreg s4  }
0xaf: {  	[dreg:$0x3] =	wrdreg s6  }
0xb0: {  	[dreg:$0x4] =	wrdreg $0xC0  }
0xb1: {  	_ =	task [dreg:s8], $0x5FFFF  }
0xb2: {  	[dreg:$0x1] =	wrdreg $0xFFFFFFFF  }
0xb3: {  	[dreg:$0x0] =	wrdreg $0x60  }
0xb4: {  	[dreg:$0x2] =	wrdreg s15  }
0xb5: {  	[dreg:$0x3] =	wrdreg s24  }
0xb6: {  	[dreg:$0x4] =	wrdreg s16  }
0xb7: {  	[dreg:$0x5] =	wrdreg $0x9  }
0xb8: {  	_ =	task.clear_ibuf [dreg:s8], $0x6FFFF;
	_ =	strace $0x90000049  }
0xb9: {  	s29 =	simm.s32 $0x9;
	_ =	strace $0x8000004B  }
0xba: {  	_ =	swait.ge [sflag:s29], $0x1  }
0xbb: {  	[sflag:s29] =	ssyncadd.s32 $0xFFFFFFFF  }
0xbc: {  	_ =	strace $0x9000004B  }
0xbd: {  	_ =	sfence  }
0xbe: {  	s30 =	sld [smem:$0x0];
	_ =	sdelay $0x2  }
0xbf: {  	s31 =	sshll.u32 s1, $0xD;
	s1 =	sshrl.u32 s1, $0x2  }
0xc0: {  	s3 =	sand.u32 $0x4000, s31;
	s1 =	sadd.s32 s1, s30  }
0xc1: {  	s0 =	sor.u32 s3, s0;
	s1 =	sshll.u32 s1, $0x11  }
0xc2: {  	s0 =	sor.u32 s1, s0  }
0xc3: {  	s0 =	sadd.s32 $0x8F2B, s0  }
0xc4: {  	[sflag:s0] =	ssyncadd.remote.s32 $0x1  }
0xc5: {  	_ =	sfence.sel $0xFFFF  }
0xc6: {  	[dreg:$0x0] =	wrdreg $0xFFFFFFFF;
	(pc) =	sbr.abs _section_cstart, $3  }
0xc7: {  	[dreg:$0x1] =	wrdreg $0xFFFFFFFF  }
0xc8: {  	_ =	task.clear_ibuf [dreg:s8], $0x2FFFF;
	_ =	strace $0x9FFFFFFF  }
0xc9: {  	(tm) =	ssettm $0x7FFFFFFF  }
tec
execute0_lowered:
.L_overlay_start_1:
0x0: {  	(tag) =	ssettag $0x1  }
0x1: {  	s7 =	rddreg [dreg:$0x0]  }
0x2: {  	s6 =	rddreg [dreg:$0x1]  }
0x3: {  	s8 =	rddreg [dreg:$0x2]  }
0x4: {  	s0 =	rddreg [dreg:$0x3]  }
0x5: {  	s3 =	srdreg.scid;
	s1 =	stileid.u32  }
0x6: {  	s2 =	simm.s32 $0x0;
	s14 =	simm.s32 $0x1;
	s15 =	simm.s32 $0x0  }
0x7: {  	s9 =	sand.u32 $0x1, s3;
	s29 =	sshll.u32 s1, $0x1;
	[smem:$0x7FF] =	sst s2  }
0x8: {  	s3 =	sadd.s32 $0xC00, s6;
	s11 =	smul.u32 $0x280, s1;
	s4 =	sor.u32 s9, s29  }
0x9: {  	_ =	strace $0x8000004A;
	s10 =	ssub.s32 $0x2, s9;
	s9 =	smul.u32 $0x140, s9  }
0xa: {  	s5 =	smul.u32 $0x140, s4;
	s4 =	sadd.s32 $0xA00, s6;
	s12 =	sshrl.u32 s10, $0x1  }
.Ltmp0:
0xb: {  	s6 =	sadd.s32 $0xAC00, s6;
	s10 =	ssub.s32 s10, s12;
	(pc) =	sbr.rel .LBB2_1-.Ltmp0, $4  }
0xc: {  	s11 =	sadd.s32 s9, s11;
	s12 =	simm.s32 $0x2;
	s5 =	smin.u32 s5, $0x25D0  }
0xd: {  	s9 =	smax.u32 s10, $0x1;
	s31 =	smin.u32 s11, $0x25D0;
	s11 =	simm.s32 $0xA000  }
0xe: {  	v2 =	vimm.s32 $0x80000000;
	v3 =	vlaneseq.u32;
	s30 =	sshll.u32 s5, $0x4;
	s13 =	sadd.s32 $0x140, s5;
	s10 =	sadd.s32 $0xA000, s31  }
0xf: {  	v4 =	vimm.f32 $0.0e+00;
	v0 =	vmov s5;
	s7 =	sadd.s32 s7, s30;
	s8 =	sadd.s32 s8, s30;
	v1 =	vmov s13;
	s13 =	simm.s32 $0xC780  }
.LBB2_15:
0x10: {  	s15 =	sadd.s32 $0x1, s15  }
0x11: {  	p0 =	sne.s32 s15, s9  }
.Ltmp1:
0x12: {  	_ = 	snop;
	(pc) =	sbr.rel @!p0 .LBB2_16-.Ltmp1, $4  }
0x13: {  	[hbm4b:s8+s2] =	stream.linear.scatter [tilespmem:s2], [sflag:$0x2], $0xA000, $0x38;
	[tilespmem:$0xCC80] =	vst v63  }
0x14: {  	_ =	swait.ge [sflag:s12], $0xA000  }
0x15: {  	[sflag:s12] =	ssyncset.done $0x0  }
0x16: {  	[sflag:s12] =	ssyncadd.s32 $0xFFFF6000  }
.LBB2_1:
0x17: {  	[tilespmem:s2], [sflag:$0x1] =	stream.linear.gather [hbm4b:s7+s2], $0xA000, $0x38;
	[tilespmem:$0xCC80] =	vst v63  }
0x18: {  	_ = 	snop  }
0x19: {  	[tilespmem:s11], [sflag:$0x2] =	stream.linear.gather [hbm4b:s3+s2], $0x2780, $0x38;
	[tilespmem:$0xCC80] =	vst v63  }
0x1a: {  	_ =	swait.ge [sflag:s12], $0x2780  }
0x1b: {  	[sflag:s12] =	ssyncset.done $0x0  }
0x1c: {  	[sflag:s12] =	ssyncadd.s32 $0xFFFFD880  }
0x1d: {  	[tilespmem:s13], [sflag:$0x2] =	stream.linear.gather [hbm4b:s4+s2], $0x80, $0x38;
	[tilespmem:$0xCC80] =	vst v63  }
0x1e: {  	_ =	swait.ge [sflag:s12], $0x80  }
0x1f: {  	[sflag:s12] =	ssyncset.done $0x0  }
0x20: {  	[sflag:s12] =	ssyncadd.s32 $0xFFFFFF80  }
0x21: {  	[tilespmem:$0xC800] =	vst v2  }
0x22: {  	[tilespmem:$0xC810] =	vst v2  }
0x23: {  	[tilespmem:$0xC820] =	vst v2  }
0x24: {  	[tilespmem:$0xC830] =	vst v2  }
0x25: {  	[tilespmem:$0xC840] =	vst v2  }
0x26: {  	[tilespmem:$0xC850] =	vst v2  }
0x27: {  	[tilespmem:$0xC860] =	vst v2  }
0x28: {  	[tilespmem:$0xC870] =	vst v2  }
0x29: {  	[tilespmem:$0xC880] =	vst v2  }
0x2a: {  	[tilespmem:$0xC890] =	vst v2  }
0x2b: {  	v6 =	vld [tilespmem:$0xC780];
	[tilespmem:$0xC8A0] =	vst v2  }
0x2c: {  	v7 =	vld [tilespmem:s10+$0x0];
	_ =	sdelay $0x4  }
0x2d: {  	vm0 =	vge.s32 v7, v6  }
0x2e: {  	v5 =	vmpcnt.ones.xlane vm0;
	_ =	sdelay $0x1  }
0x2f: {  	(v2sf) =	vpush v5, $0x0;
	_ =	sdelay $0xc  }
0x30: {  	p0 =	por $0x0, $0x0  }
.Ltmp2:
0x31: {  	_ = 	snop;
	(pc) =	sbr.rel @p0 .LBB2_3-.Ltmp2, $4  }
0x32: {  	s18 =	spop (v2sf)  }
0x33: {  	p1 =	slt.s32 s18, $0x1  }
0x34: {  	s19 =	simm.s32 $0x10;
	s21 =	simm.s32 $0x0;
	v8 =	vlaneseq.u32 @!p1  }
0x35: {  	s20 =	smov.u32 s10;
	s17 =	simm.s32 $0x0;
	v5 =	vld [tilespmem:$0xC790];
	s16 =	sadd.s32 $0x0, s18;
	vm0 =	vge.s32 @!p1 v7, v6;
	v7 =	vor.u32 @!p1 s2, v8  }
.LBB2_2:
0x36: {  	s17 =	smov.u32 s16  }
0x37: {  	s20 =	sadd.s32 $0x10, s20;
	s22 =	smov.u32 s19;
	s19 =	sadd.s32 $0x10, s19;
	[tilespmem:s21+$0xCA00] =	vst.msk @!p1 vm0, v7  }
0x38: {  	p0 =	seq.s32 s19, $0x140;
	s21 =	smov.u32 s16;
	v7 =	vld [tilespmem:s20+$0x0];
	_ =	sdelay $0x4  }
0x39: {  	vm0 =	vge.s32 v7, v6  }
0x3a: {  	v8 =	vmpcnt.ones.xlane vm0;
	_ =	sdelay $0x1  }
0x3b: {  	(v2sf) =	vpush v8, $0x0;
	_ =	sdelay $0xd  }
.Ltmp3:
0x3c: {  	(pc) =	sbr.rel @!p0 .LBB2_2-.Ltmp3, $4  }
0x3d: {  	s18 =	spop (v2sf)  }
0x3e: {  	p1 =	slt.s32 s18, $0x1;
	s16 =	sadd.s32 s16, s18  }
0x3f: {  	vm0 =	vge.s32 @!p1 v7, v6;
	v7 =	vlaneseq.u32 @!p1  }
0x40: {  	v7 =	vor.u32 @!p1 s22, v7  }
.LBB2_3:
0x41: {  	[tilespmem:s21+$0xCA00] =	vst.msk @!p1 vm0, v7;
	s19 =	simm.s32 $0xA000  }
0x42: {  	v7 =	vld [tilespmem:s19+$0x0];
	_ =	sdelay $0x4  }
0x43: {  	vm0 =	vge.s32 v7, v5  }
0x44: {  	v6 =	vmpcnt.ones.xlane vm0;
	_ =	sdelay $0x1  }
0x45: {  	(v2sf) =	vpush v6, $0x0;
	_ =	sdelay $0xe  }
0x46: {  	s31 =	spop (v2sf)  }
0x47: {  	p1 =	slt.s32 s31, $0x1  }
0x48: {  	s20 =	simm.s32 $0x0;
	vm0 =	vge.s32 @!p1 v7, v5;
	v6 =	vlaneseq.u32 @!p1  }
0x49: {  	s22 =	simm.s32 $0x10;
	s21 =	sadd.s32 $0x0, s31;
	v6 =	vor.u32 @!p1 s20, v6;
	[tilespmem:s20+$0xC800] =	vst.msk @!p1 vm0, v7  }
.LBB2_4:
0x4a: {  	[tilespmem:s20+$0xC900] =	vst.msk @!p1 vm0, v6;
	s19 =	sadd.s32 $0x10, s19;
	s23 =	smov.u32 s22;
	s22 =	sadd.s32 $0x10, s22  }
0x4b: {  	s20 =	smov.u32 s21;
	v7 =	vld [tilespmem:s19+$0x0];
	p0 =	seq.s32 s22, $0x2720;
	_ =	sdelay $0x4  }
0x4c: {  	vm0 =	vge.s32 v7, v5  }
0x4d: {  	v6 =	vmpcnt.ones.xlane vm0;
	_ =	sdelay $0x1  }
0x4e: {  	(v2sf) =	vpush v6, $0x0;
	_ =	sdelay $0xd  }
.Ltmp4:
0x4f: {  	(pc) =	sbr.rel @!p0 .LBB2_4-.Ltmp4, $4  }
0x50: {  	s24 =	spop (v2sf)  }
0x51: {  	p1 =	slt.s32 s24, $0x1;
	s21 =	sadd.s32 s21, s24  }
0x52: {  	vm0 =	vge.s32 @!p1 v7, v5;
	v6 =	vlaneseq.u32 @!p1  }
0x53: {  	v6 =	vor.u32 @!p1 s23, v6;
	[tilespmem:s20+$0xC800] =	vst.msk @!p1 vm0, v7  }
0x54: {  	[tilespmem:s20+$0xC900] =	vst.msk @!p1 vm0, v6;
	s31 =	simm.s32 $0xC900  }
0x55: {  	v6 =	vld [tilespmem:s31+$0x0];
	_ =	sdelay $0x2  }
0x56: {  	s19 =	simm.s32 $0x0  }
0x57: {  	v5 =	vmov s21;
	v7 =	vor.u32 s19, v3  }
0x58: {  	vm15 =	vlt.s32 v7, v5;
	vm1 =	vlt.s32 v6, v1  }
0x59: {  	vm2 =	vge.s32 v6, v0;
	vm0 =	vmand vm15, vm1  }
0x5a: {  	vm0 =	vmand vm0, vm2  }
0x5b: {  	v6 =	vmpcnt.ones.xlane vm0;
	_ =	sdelay $0x1  }
0x5c: {  	(v2sf) =	vpush v6, $0x0;
	_ =	sdelay $0x4  }
0x5d: {  	s20 =	simm.s32 $0xC910;
	[tilespmem:s19+$0xCB80] =	vst.msk vm0, v7  }
0x5e: {  	s21 =	simm.s32 $0x10;
	s22 =	simm.s32 $0x20;
	v6 =	vld [tilespmem:s20+$0x0]  }
.LBB2_6:
0x5f: {  	p0 =	sne.s32 s22, $0xA0;
	_ =	sdelay $0x2  }
0x60: {  	v7 =	vor.u32 s21, v3;
	s21 =	smov.u32 s22  }
0x61: {  	vm0 =	vlt.s32 v7, v5;
	vm1 =	vlt.s32 v6, v1  }
0x62: {  	vm2 =	vge.s32 v6, v0;
	vm0 =	vmand vm0, vm1  }
0x63: {  	vm0 =	vmand vm0, vm2  }
0x64: {  	v6 =	vmpcnt.ones.xlane vm0  }
0x65: {  	s23 =	spop (v2sf)  }
0x66: {  	(v2sf) =	vpush v6, $0x0;
	s19 =	sadd.s32 s19, s23  }
0x67: {  	[tilespmem:s19+$0xCB80] =	vst.msk vm0, v7  }
.Ltmp5:
0x68: {  	(pc) =	sbr.rel @p0 .LBB2_6-.Ltmp5, $3  }
0x69: {  	_ =	sdelay $0x1  }
0x6a: {  	s20 =	sadd.s32 $0x10, s20  }
0x6b: {  	s22 =	sadd.s32 $0x10, s22;
	v6 =	vld [tilespmem:s20+$0x0]  }
0x6c: {  	_ =	sdelay $0x2  }
0x6d: {  	v7 =	vor.u32 s21, v3  }
0x6e: {  	vm0 =	vlt.s32 v7, v5;
	vm1 =	vlt.s32 v6, v1  }
0x6f: {  	vm2 =	vge.s32 v6, v0;
	vm0 =	vmand vm0, vm1  }
0x70: {  	vm0 =	vmand vm0, vm2  }
0x71: {  	v5 =	vmpcnt.ones.xlane vm0;
	_ =	sdelay $0x1  }
0x72: {  	(v2sf) =	vpush v5, $0x0;
	_ =	sdelay $0xc  }
0x73: {  	p0 =	slt.s32 s16, $0x1;
	s20 =	spop (v2sf)  }
.Ltmp6:
0x74: {  	s19 =	sadd.s32 s19, s20;
	(pc) =	sbr.rel @p0 .LBB2_11-.Ltmp6, $4  }
0x75: {  	[tilespmem:s19+$0xCB80] =	vst.msk vm0, v7;
	s31 =	spop (v2sf)  }
0x76: {  	_ =	swait.ge [sflag:s14], $0xA000  }
0x77: {  	[sflag:s14] =	ssyncset.done $0x0  }
0x78: {  	s16 =	sadd.s32 s19, s31;
	[sflag:s14] =	ssyncadd.s32 $0xFFFF6000  }
0x79: {  	s18 =	sadd.s32 s17, s18  }
0x7a: {  	p0 =	seq.s32 s18, $0x1  }
.Ltmp7:
0x7b: {  	_ = 	snop;
	(pc) =	sbr.rel @p0 .LBB2_10-.Ltmp7, $3  }
0x7c: {  	_ =	sdelay $0x1  }
0x7d: {  	s17 =	simm.s32 $0xCA00  }
0x7e: {  	v5 =	vld [tilespmem:s17+$0x0];
	s18 =	sadd.s32 $0xFFFFFFFF, s18  }
.LBB2_9:
0x7f: {  	p0 =	seq.s32 s18, $0x1;
	_ =	sdelay $0x3  }
0x80: {  	(v2sf) =	vpush v5, $0x0;
	_ =	sdelay $0xe  }
0x81: {  	s19 =	spop (v2sf)  }
0x82: {  	s19 =	sshll.u32 s19, $0x9  }
0x83: {  	s19 =	sshra.s32 s19, $0x2  }
0x84: {  	[tilespmem:s19+$0x0] =	vst v4  }
0x85: {  	[tilespmem:s19+$0x10] =	vst v4  }
0x86: {  	[tilespmem:s19+$0x20] =	vst v4  }
0x87: {  	[tilespmem:s19+$0x30] =	vst v4  }
.Ltmp8:
0x88: {  	[tilespmem:s19+$0x40] =	vst v4;
	(pc) =	sbr.rel @!p0 .LBB2_9-.Ltmp8, $4  }
0x89: {  	[tilespmem:s19+$0x50] =	vst v4  }
0x8a: {  	[tilespmem:s19+$0x60] =	vst v4  }
0x8b: {  	s17 =	sadd.s32 $0x1, s17;
	[tilespmem:s19+$0x70] =	vst v4  }
0x8c: {  	s18 =	sadd.s32 $0xFFFFFFFF, s18;
	v5 =	vld [tilespmem:s17+$0x0]  }
.LBB2_10:
0x8d: {  	_ =	sdelay $0x3  }
0x8e: {  	(v2sf) =	vpush v5, $0x0;
	_ =	sdelay $0xe  }
0x8f: {  	s17 =	spop (v2sf)  }
0x90: {  	s17 =	sshll.u32 s17, $0x9  }
0x91: {  	s17 =	sshra.s32 s17, $0x2  }
0x92: {  	[tilespmem:s17+$0x0] =	vst v4  }
0x93: {  	[tilespmem:s17+$0x10] =	vst v4  }
0x94: {  	[tilespmem:s17+$0x20] =	vst v4  }
0x95: {  	[tilespmem:s17+$0x30] =	vst v4  }
0x96: {  	[tilespmem:s17+$0x40] =	vst v4  }
0x97: {  	[tilespmem:s17+$0x50] =	vst v4  }
0x98: {  	[tilespmem:s17+$0x60] =	vst v4  }
0x99: {  	[tilespmem:s17+$0x70] =	vst v4  }
.LBB2_11:
0x9a: {  	p0 =	sgt.s32 s16, $0x0  }
.Ltmp9:
0x9b: {  	_ = 	snop;
	(pc) =	sbr.rel @!p0 .LBB2_15-.Ltmp9, $2  }
0x9c: {  	_ =	sdelay $0x2  }
0x9d: {  	s17 =	simm.s32 $0x0  }
.LBB2_12:
0x9e: {  	v5 =	vld [tilespmem:s17+$0xCB80];
	_ =	sdelay $0x4  }
0x9f: {  	(v2sf) =	vpush v5, $0x0;
	_ =	sdelay $0xc  }
0xa0: {  	s28 =	simm.s32 $0x0  }
0xa1: {  	v8 =	vld [tilespmem:s28+$0xC800]  }
0xa2: {  	v9 =	vld [tilespmem:s28+$0xC900];
	s18 =	spop (v2sf)  }
0xa3: {  	s29 =	simm.s32 $0x10;
	v5 =	vld [tilespmem:s18+$0xC900]  }
0xa4: {  	v10 =	vld [tilespmem:s29+$0xC800]  }
0xa5: {  	v6 =	vld.msk [tilespmem:s18+$0xC800 ss:$0x0], $0xffff  }
0xa6: {  	v11 =	vld [tilespmem:s29+$0xC900];
	_ =	sdelay $0x1  }
0xa7: {  	v7 =	vbroadcast v5, $0x0;
	_ =	sdelay $0x1  }
0xa8: {  	vm1 =	veq.s32 v8, v6;
	vm2 =	vgt.s32 v8, v6;
	vm0 =	vlt.s32 v9, v7  }
0xa9: {  	vm10 =	veq.s32 v10, v6;
	vm9 =	vlt.s32 v11, v7;
	vm0 =	vmand vm1, vm0  }
0xaa: {  	vm11 =	vgt.s32 v10, v6;
	vm1 =	vmand vm10, vm9;
	vm0 =	vmor vm2, vm0  }
0xab: {  	vm12 =	vmor vm11, vm1;
	v8 =	vmpcnt.ones.xlane vm0  }
0xac: {  	v9 =	vmpcnt.ones.xlane vm12  }
0xad: {  	s30 =	simm.s32 $0x20;
	(v2sf) =	vpush v8, $0x0  }
0xae: {  	v12 =	vld [tilespmem:s30+$0xC800];
	(v2sf) =	vpush v9, $0x0  }
0xaf: {  	v13 =	vld [tilespmem:s30+$0xC900];
	_ =	sdelay $0x3  }
0xb0: {  	s31 =	simm.s32 $0x30  }
0xb1: {  	vm13 =	veq.s32 v12, v6;
	vm14 =	vlt.s32 v13, v7;
	v8 =	vld [tilespmem:s31+$0xC800]  }
0xb2: {  	vm15 =	vgt.s32 v12, v6;
	vm1 =	vmand vm13, vm14;
	v9 =	vld [tilespmem:s31+$0xC900]  }
0xb3: {  	vm0 =	vmor vm15, vm1  }
0xb4: {  	s19 =	simm.s32 $0x100;
	s18 =	simm.s32 $0x0;
	v10 =	vmpcnt.ones.xlane vm0  }
.LBB2_13:
0xb5: {  	p0 =	sne.s32 s19, $0x280  }
.Ltmp10:
0xb6: {  	s20 =	sshra.s32 s19, $0x2;
	(v2sf) =	vpush v10, $0x0;
	v10 =	vmov v8;
	(pc) =	sbr.rel @p0 .LBB2_13-.Ltmp10, $4  }
0xb7: {  	s19 =	sadd.s32 $0x40, s19;
	v8 =	vld [tilespmem:s20+$0xC800];
	vm0 =	veq.s32 v10, v6;
	vm1 =	vlt.s32 v9, v7  }
0xb8: {  	vm2 =	vgt.s32 v10, v6;
	v9 =	vld [tilespmem:s20+$0xC900];
	vm0 =	vmand vm0, vm1  }
0xb9: {  	vm0 =	vmor vm2, vm0;
	s20 =	spop (v2sf)  }
0xba: {  	v10 =	vmpcnt.ones.xlane vm0;
	s18 =	sadd.s32 s18, s20  }
0xbb: {  	_ =	sdelay $0x1  }
0xbc: {  	vm1 =	veq.s32 v8, v6;
	vm0 =	vlt.s32 v9, v7  }
0xbd: {  	vm2 =	vgt.s32 v8, v6;
	vm0 =	vmand vm1, vm0  }
0xbe: {  	vm0 =	vmor vm2, vm0  }
0xbf: {  	v6 =	vmpcnt.ones.xlane vm0  }
0xc0: {  	(v2sf) =	vpush v10, $0x0  }
0xc1: {  	(v2sf) =	vpush v6, $0x0;
	_ =	sdelay $0x2  }
0xc2: {  	(v2sf) =	vpush v5, $0x0;
	_ =	sdelay $0x8  }
0xc3: {  	s19 =	spop (v2sf)  }
0xc4: {  	s18 =	sadd.s32 s18, s19;
	s28 =	spop (v2sf)  }
0xc5: {  	s18 =	sadd.s32 s18, s28;
	s29 =	spop (v2sf)  }
0xc6: {  	s18 =	sadd.s32 s18, s29;
	s30 =	spop (v2sf)  }
0xc7: {  	s18 =	sadd.s32 s18, s30  }
0xc8: {  	p0 =	slt.s32 s18, $0x95  }
0xc9: {  	s31 =	spop (v2sf);
	s18 =	simm.s32 @!p0 $0x95  }
0xca: {  	s19 =	ssub.s32 s31, s5;
	s18 =	sshll.u32 s18, $0x4  }
0xcb: {  	s17 =	sadd.s32 $0x1, s17;
	s19 =	sshll.u32 s19, $0x9;
	s18 =	sand.u32 $0x1FFFFFF0, s18  }
0xcc: {  	p0 =	sne.s32 s17, s16;
	s19 =	sshra.s32 s19, $0x2;
	s18 =	sadd.s32 s6, s18  }
0xcd: {  	[tilespmem:s19], [sflag:$0x2] =	stream.linear.gather [hbm4b:s18+s2], $0x80, $0x38;
	[tilespmem:$0xCC80] =	vst v63  }
.Ltmp11:
0xce: {  	_ = 	snop;
	(pc) =	sbr.rel @p0 .LBB2_12-.Ltmp11, $4  }
.Ltmp12:
0xcf: {  	_ = 	snop;
	(pc) =	sbr.rel @!p0 .LBB2_15-.Ltmp12, $4  }
0xd0: {  	_ =	swait.ge [sflag:s12], $0x80  }
0xd1: {  	[sflag:s12] =	ssyncset.done $0x0  }
0xd2: {  	[sflag:s12] =	ssyncadd.s32 $0xFFFFFF80  }
0xd3: {  	_ = 	snop  }
.LBB2_16:
0xd4: {  	_ =	sfence.sel $0x180000  }
0xd5: {  	[bflag:$0x0] =	sbarrier.arrive $0xFFFF  }
0xd6: {  	p0 =	sne.s32 s1, $0x0;
	_ =	strace $0x9000004A  }
0xd7: {  	s0 =	sadd.s32 @!p0 $0x100000, s0;
	[bflag:$0x2] =	sbarrier.arrive $0xFFFF  }
0xd8: {  	[sflag:s0] =	ssyncadd.tile.s32 @!p0 $0x1;
	_ =	shalt  }
.Lfunc_end2:
_tile_overlayer_lowered:
.L_overlay_start_2:
0xd9: {  	(tag) =	ssettag $0x2  }
0xda: {  	s0 =	rddreg [dreg:$0x0];
	s2 =	stileid.u32  }
0xdb: {  	s1 =	rddreg [dreg:$0x1];
	p0 =	sne.s32 s2, $0x0  }
0xdc: {  	s3 =	rddreg [dreg:$0x2];
	[bflag:$0x3] =	sbarrier.arrive $0xFFFF;
	s2 =	simm.s32 @!p0 $0x1C02  }
0xdd: {  	[timem:s3], [sflag:s2] =	dma.local @!p0 [hbm:s0], s1  }
0xde: {  	s0 =	simm.s32 @!p0 $0x2  }
0xdf: {  	_ =	swait.ge @!p0 [sflag:s0], s1  }
0xe0: {  	s1 =	ssub.s32 @!p0 $0x0, s1;
	[sflag:s0] =	ssyncset.done @!p0 $0x0  }
0xe1: {  	[sflag:s0] =	ssyncadd.s32 @!p0 s1  }
0xe2: {  	[bflag:$0x3] =	sbarrier.arrive $0xFFFF  }
0xe3: {  	_ =	shalt  }

</sc_bundles>
